<compile_context>
chip_gen: v7x
topology: tpu7x:2x2x1
jax: 0.10.2.dev20260603
libtpu: 0.0.44.dev20260713+nightly
codegen_flags: <defaults>
</compile_context>

<pallas_src>
import functools

import jax
import jax.numpy as jnp
import numpy as np
from jax import lax
from jax.experimental import pallas as pl
from jax.experimental.pallas import tpu as pltpu
from jax.experimental.pallas import tpu_sc as plsc

_LEV = np.array([8.0, 8.0, 8.0, 6.0, 5.0], np.float32)
_HALF_L = (_LEV - np.float32(1.0)) * np.float32(1.0 + 1e-3) / np.float32(2.0)
_OFF = np.where(_LEV.astype(np.int32) % 2 == 0, np.float32(0.5), np.float32(0.0)).astype(np.float32)
_SHIFT = np.arctanh(_OFF / _HALF_L).astype(np.float32)
_HW = np.array([4.0, 4.0, 4.0, 3.0, 2.0], np.float32)
_BASIS = np.array([1.0, 8.0, 64.0, 512.0, 3072.0], np.float32)

_B = 65536
_D = 256
_IDX_ROWS = 512
_IDX_COLS = 128
_NCORE = 2
_NSUB = 16
_NW = _NCORE * _NSUB
_ROWS_PER_W = _IDX_ROWS // _NW
_CH = _IDX_COLS


def _quant_body(zt_ref, idx_ref):
    acc = None
    for d in range(5):
        t = jnp.tanh(zt_ref[d] + float(_SHIFT[d]))
        q = jnp.round(t * float(_HALF_L[d]) - float(_OFF[d]))
        codes = q / float(_HW[d])
        zhat = codes * float(_HW[d]) + float(_HW[d])
        term = zhat * float(_BASIS[d])
        acc = term if acc is None else acc + term
    idx_ref[...] = acc.astype(jnp.int32)


def _gather_body(tbl_hbm, idx_hbm, out_hbm, idx_v, buf0, buf1,
                 gsem0a, gsem0b, gsem1a, gsem1b):
    wid = lax.axis_index("s") * _NCORE + lax.axis_index("c")
    r0 = wid * _ROWS_PER_W
    pltpu.sync_copy(idx_hbm.at[pl.ds(r0, _ROWS_PER_W)], idx_v)
    base = r0 * _CH
    bufs = (buf0, buf1)
    gsems = ((gsem0a, gsem0b), (gsem1a, gsem1b))
    _H = _CH // 2

    def fire(c, b):
        pltpu.async_copy(
            tbl_hbm.at[idx_v.at[c, pl.ds(0, _H)]], bufs[b].at[pl.ds(0, _H)], gsems[b][0]
        )
        pltpu.async_copy(
            tbl_hbm.at[idx_v.at[c, pl.ds(_H, _H)]], bufs[b].at[pl.ds(_H, _H)], gsems[b][1]
        )

    def wait(c, b):
        pltpu.make_async_copy(
            tbl_hbm.at[idx_v.at[c, pl.ds(0, _H)]], bufs[b].at[pl.ds(0, _H)], gsems[b][0]
        ).wait()
        pltpu.make_async_copy(
            tbl_hbm.at[idx_v.at[c, pl.ds(_H, _H)]], bufs[b].at[pl.ds(_H, _H)], gsems[b][1]
        ).wait()

    fire(0, 0)
    fire(1, 1)

    def body(j, carry):
        for b in range(2):
            c = 2 * j + b
            wait(c, b)
            pltpu.sync_copy(bufs[b], out_hbm.at[pl.ds(base + c * _CH, _CH)])

            @pl.when(c + 2 < _ROWS_PER_W)
            def _fire():
                fire(c + 2, b)

        return carry

    lax.fori_loop(0, _ROWS_PER_W // 2, body, 0)


@functools.cache
def _make_gather():
    return pl.kernel(
        _gather_body,
        out_type=jax.ShapeDtypeStruct((_B, _D), jnp.float32),
        mesh=plsc.VectorSubcoreMesh(core_axis_name="c", subcore_axis_name="s"),
        scratch_types=[
            pltpu.VMEM((_ROWS_PER_W, _IDX_COLS), jnp.int32),
            pltpu.VMEM((_CH, _D), jnp.float32),
            pltpu.VMEM((_CH, _D), jnp.float32),
            pltpu.SemaphoreType.DMA,
            pltpu.SemaphoreType.DMA,
            pltpu.SemaphoreType.DMA,
            pltpu.SemaphoreType.DMA,
        ],
    )


def kernel(z, codebook):
    zt = z.reshape(-1, 5).T.reshape(5, _IDX_ROWS, _IDX_COLS)
    idx2 = pl.pallas_call(
        _quant_body,
        out_shape=jax.ShapeDtypeStruct((_IDX_ROWS, _IDX_COLS), jnp.int32),
    )(zt)
    out = _make_gather()(codebook, idx2)
    return out.reshape(64, 1024, _D), idx2.reshape(64, 1024)

# --- scband reference (transcript-rebuilt; emitter-appended) ---
"""Pipeline reference for scband-fsq-58119497449480 (READ-ONLY COPY).

The authoritative reference and input builder live on the scoring server;
editing this copy changes nothing except your own understanding.
"""

import jax, jax.numpy as jnp
import numpy as np

LEVELS_F = jnp.array([8.0, 8.0, 8.0, 6.0, 5.0], dtype=jnp.float32)
LEVELS_I = jnp.array([8, 8, 8, 6, 5], dtype=jnp.int32)
BASIS_F = jnp.array([1.0, 8.0, 64.0, 512.0, 3072.0], dtype=jnp.float32)  # cumprod([1]+levels[:-1])
HALF_WIDTH = jnp.array([4.0, 4.0, 4.0, 3.0, 2.0], dtype=jnp.float32)  # levels // 2
CODEBOOK_SIZE = 15360  # prod(levels)
CHANNELS = 256


def round_ste(x):
    return x + jax.lax.stop_gradient(jnp.round(x) - x)


def bound(z, eps=1e-3):
    half_l = (LEVELS_F - 1.0) * (1.0 + eps) / 2.0
    offset = jnp.where(LEVELS_I % 2 == 0, 0.5, 0.0)
    shift = jnp.arctanh(offset / half_l)
    return jnp.tanh(z + shift) * half_l - offset


def setup_inputs(seed: int = 0) -> dict:
    key = jax.random.key(seed)
    k1, k2 = jax.random.split(key)
    z = jax.random.normal(k1, (64, 1024, 5), dtype=jnp.float32)
    # codebook param: kaiming_uniform-like init, bound = sqrt(6 / fan_in)
    bnd = float(np.sqrt(6.0 / CHANNELS))
    codebook = jax.random.uniform(k2, (CODEBOOK_SIZE, CHANNELS), dtype=jnp.float32, minval=-bnd, maxval=bnd)
    return {"z": z, "codebook": codebook}


def reference(z, codebook):
    orig_dtype = z.dtype
    # quantize: round_ste(bound(z)) / half_width
    quantized = round_ste(bound(z))
    codes = quantized / HALF_WIDTH
    # codes_to_indices: scale_and_shift then dot with basis
    zhat = codes * HALF_WIDTH + HALF_WIDTH
    indices = jnp.sum(jax.lax.stop_gradient(zhat) * BASIS_F, axis=-1).astype(jnp.int32)
    codes = codes.astype(orig_dtype)
    # gather rows from codebook (memory-bound gather: 64*1024 lookups of 256-dim rows)
    out = jnp.take(codebook, indices, axis=0)
    return out, indices

if __name__ == "__main__":
    import jax
    _d = setup_inputs()
    print(jax.jit(kernel)(*tuple(_d.values())))

</pallas_src>

<mosaic_0001>
#map = affine_map<(d0, d1) -> (0, 0)>
module attributes {stable_mosaic.version = 14 : i64} {
  func.func @_gather_body(%arg0: i32, %arg1: i32, %arg2: memref<15360x256xf32, #tpu.memory_space<hbm>>, %arg3: memref<512x128xi32, #tpu.memory_space<hbm>>, %arg4: memref<65536x256xf32, #tpu.memory_space<hbm>>, %arg5: memref<16x128xi32, #tpu.memory_space<vmem>>, %arg6: memref<128x256xf32, #tpu.memory_space<vmem>>, %arg7: memref<128x256xf32, #tpu.memory_space<vmem>>, %arg8: memref<!tpu.dma_semaphore, #tpu.memory_space<semaphore_mem>>, %arg9: memref<!tpu.dma_semaphore, #tpu.memory_space<semaphore_mem>>, %arg10: memref<!tpu.dma_semaphore, #tpu.memory_space<semaphore_mem>>, %arg11: memref<!tpu.dma_semaphore, #tpu.memory_space<semaphore_mem>>) attributes {dimension_semantics = [#tpu.dimension_semantics<core_parallel>, #tpu.dimension_semantics<subcore_parallel>], iteration_bounds = array<i64: 2, 16>, scalar_prefetch = 0 : i64, scratch_operands = 7 : i64, tpu.core_type = #tpu.core_type<sc_vector_subcore>, window_params = [{transform_indices = #map}, {transform_indices = #map}, {transform_indices = #map}]} {
    %mul3A = arith.constant 2 : i32
    %mul3A_0 = arith.muli %arg1, %mul3A : i32
    %add3A = arith.addi %mul3A_0, %arg0 : i32
    %mul3A_1 = arith.constant 16 : i32
    %mul3A_2 = arith.muli %add3A, %mul3A_1 : i32
    "tpu.region"() ({
      %run_scoped3A = tpu.sem_alloc : memref<!tpu.dma_semaphore, #tpu.memory_space<semaphore_mem>>
      %dma_start3A_49 = arith.constant 0 : i32
      %dma_start3A_50 = tpu.memref_slice %arg3[%mul3A_2, %dma_start3A_49] : memref<512x128xi32, #tpu.memory_space<hbm>> -> memref<16x128xi32, #tpu.memory_space<hbm>>
      %dma_start3A_51 = arith.constant 0 : i32
      %dma_start3A_52 = tpu.memref_slice %arg3[%mul3A_2, %dma_start3A_51] : memref<512x128xi32, #tpu.memory_space<hbm>> -> memref<16x128xi32, #tpu.memory_space<hbm>>
      tpu.enqueue_dma source(%dma_start3A_52 : memref<16x128xi32, #tpu.memory_space<hbm>>) target(%arg5 : memref<16x128xi32, #tpu.memory_space<vmem>>) target_semaphore(%run_scoped3A : memref<!tpu.dma_semaphore, #tpu.memory_space<semaphore_mem>>)
      %dma_wait3A = arith.constant 0 : i32
      %dma_wait3A_53 = tpu.memref_slice %arg3[%mul3A_2, %dma_wait3A] : memref<512x128xi32, #tpu.memory_space<hbm>> -> memref<16x128xi32, #tpu.memory_space<hbm>>
      %dma_wait3A_54 = arith.constant 0 : i32
      %dma_wait3A_55 = tpu.memref_slice %arg3[%mul3A_2, %dma_wait3A_54] : memref<512x128xi32, #tpu.memory_space<hbm>> -> memref<16x128xi32, #tpu.memory_space<hbm>>
      tpu.wait_dma2 semaphore(%run_scoped3A : memref<!tpu.dma_semaphore, #tpu.memory_space<semaphore_mem>>) src(%dma_wait3A_55 : memref<16x128xi32, #tpu.memory_space<hbm>>) dst(%arg5 : memref<16x128xi32, #tpu.memory_space<vmem>>)
      tpu.yield
    }) : () -> ()
    %mul3A_3 = arith.constant 128 : i32
    %mul3A_4 = arith.muli %mul3A_2, %mul3A_3 : i32
    %dma_start3A = arith.constant 0 : i32
    %dma_start3A_5 = arith.constant 0 : i32
    %dma_start3A_6 = arith.constant 0 : i32
    %dma_start3A_7 = tpu.memref_slice %arg6[%dma_start3A_5, %dma_start3A_6] : memref<128x256xf32, #tpu.memory_space<vmem>> -> memref<64x256xf32, #tpu.memory_space<vmem>>
    %dma_start3A_8 = arith.constant 0 : i32
    %dma_start3A_9 = tpu.memref_slice %arg5[%dma_start3A, %dma_start3A_8] : memref<16x128xi32, #tpu.memory_space<vmem>> -> memref<1x64xi32, #tpu.memory_space<vmem>>
    %dma_start3A_10 = tpu.memref_squeeze %dma_start3A_9 : memref<1x64xi32, #tpu.memory_space<vmem>> -> memref<64xi32, #tpu.memory_space<vmem>>
    %dma_start3A_11 = arith.constant 0 : i32
    %dma_start3A_12 = arith.constant 0 : i32
    %dma_start3A_13 = tpu.memref_slice %arg2[%dma_start3A_11, %dma_start3A_12] : memref<15360x256xf32, #tpu.memory_space<hbm>> -> memref<15360x256xf32, #tpu.memory_space<hbm>>
    tpu.enqueue_indirect_dma source(%dma_start3A_13 : memref<15360x256xf32, #tpu.memory_space<hbm>>) target(%dma_start3A_7 : memref<64x256xf32, #tpu.memory_space<vmem>>) offsets(%dma_start3A_10 : memref<64xi32, #tpu.memory_space<vmem>>) semaphore(%arg8 : memref<!tpu.dma_semaphore, #tpu.memory_space<semaphore_mem>>)
    %dma_start3A_14 = arith.constant 0 : i32
    %dma_start3A_15 = arith.constant 64 : i32
    %dma_start3A_16 = arith.constant 0 : i32
    %dma_start3A_17 = tpu.memref_slice %arg6[%dma_start3A_15, %dma_start3A_16] : memref<128x256xf32, #tpu.memory_space<vmem>> -> memref<64x256xf32, #tpu.memory_space<vmem>>
    %dma_start3A_18 = arith.constant 64 : i32
    %dma_start3A_19 = tpu.memref_slice %arg5[%dma_start3A_14, %dma_start3A_18] : memref<16x128xi32, #tpu.memory_space<vmem>> -> memref<1x64xi32, #tpu.memory_space<vmem>>
    %dma_start3A_20 = tpu.memref_squeeze %dma_start3A_19 : memref<1x64xi32, #tpu.memory_space<vmem>> -> memref<64xi32, #tpu.memory_space<vmem>>
    %dma_start3A_21 = arith.constant 0 : i32
    %dma_start3A_22 = arith.constant 0 : i32
    %dma_start3A_23 = tpu.memref_slice %arg2[%dma_start3A_21, %dma_start3A_22] : memref<15360x256xf32, #tpu.memory_space<hbm>> -> memref<15360x256xf32, #tpu.memory_space<hbm>>
    tpu.enqueue_indirect_dma source(%dma_start3A_23 : memref<15360x256xf32, #tpu.memory_space<hbm>>) target(%dma_start3A_17 : memref<64x256xf32, #tpu.memory_space<vmem>>) offsets(%dma_start3A_20 : memref<64xi32, #tpu.memory_space<vmem>>) semaphore(%arg9 : memref<!tpu.dma_semaphore, #tpu.memory_space<semaphore_mem>>)
    %dma_start3A_24 = arith.constant 1 : i32
    %dma_start3A_25 = arith.constant 0 : i32
    %dma_start3A_26 = arith.constant 0 : i32
    %dma_start3A_27 = tpu.memref_slice %arg7[%dma_start3A_25, %dma_start3A_26] : memref<128x256xf32, #tpu.memory_space<vmem>> -> memref<64x256xf32, #tpu.memory_space<vmem>>
    %dma_start3A_28 = arith.constant 0 : i32
    %dma_start3A_29 = tpu.memref_slice %arg5[%dma_start3A_24, %dma_start3A_28] : memref<16x128xi32, #tpu.memory_space<vmem>> -> memref<1x64xi32, #tpu.memory_space<vmem>>
    %dma_start3A_30 = tpu.memref_squeeze %dma_start3A_29 : memref<1x64xi32, #tpu.memory_space<vmem>> -> memref<64xi32, #tpu.memory_space<vmem>>
    %dma_start3A_31 = arith.constant 0 : i32
    %dma_start3A_32 = arith.constant 0 : i32
    %dma_start3A_33 = tpu.memref_slice %arg2[%dma_start3A_31, %dma_start3A_32] : memref<15360x256xf32, #tpu.memory_space<hbm>> -> memref<15360x256xf32, #tpu.memory_space<hbm>>
    tpu.enqueue_indirect_dma source(%dma_start3A_33 : memref<15360x256xf32, #tpu.memory_space<hbm>>) target(%dma_start3A_27 : memref<64x256xf32, #tpu.memory_space<vmem>>) offsets(%dma_start3A_30 : memref<64xi32, #tpu.memory_space<vmem>>) semaphore(%arg10 : memref<!tpu.dma_semaphore, #tpu.memory_space<semaphore_mem>>)
    %dma_start3A_34 = arith.constant 1 : i32
    %dma_start3A_35 = arith.constant 64 : i32
    %dma_start3A_36 = arith.constant 0 : i32
    %dma_start3A_37 = tpu.memref_slice %arg7[%dma_start3A_35, %dma_start3A_36] : memref<128x256xf32, #tpu.memory_space<vmem>> -> memref<64x256xf32, #tpu.memory_space<vmem>>
    %dma_start3A_38 = arith.constant 64 : i32
    %dma_start3A_39 = tpu.memref_slice %arg5[%dma_start3A_34, %dma_start3A_38] : memref<16x128xi32, #tpu.memory_space<vmem>> -> memref<1x64xi32, #tpu.memory_space<vmem>>
    %dma_start3A_40 = tpu.memref_squeeze %dma_start3A_39 : memref<1x64xi32, #tpu.memory_space<vmem>> -> memref<64xi32, #tpu.memory_space<vmem>>
    %dma_start3A_41 = arith.constant 0 : i32
    %dma_start3A_42 = arith.constant 0 : i32
    %dma_start3A_43 = tpu.memref_slice %arg2[%dma_start3A_41, %dma_start3A_42] : memref<15360x256xf32, #tpu.memory_space<hbm>> -> memref<15360x256xf32, #tpu.memory_space<hbm>>
    tpu.enqueue_indirect_dma source(%dma_start3A_43 : memref<15360x256xf32, #tpu.memory_space<hbm>>) target(%dma_start3A_37 : memref<64x256xf32, #tpu.memory_space<vmem>>) offsets(%dma_start3A_40 : memref<64xi32, #tpu.memory_space<vmem>>) semaphore(%arg11 : memref<!tpu.dma_semaphore, #tpu.memory_space<semaphore_mem>>)
    %scan3A = arith.constant 0 : i32
    %scan3A_44 = arith.constant 0 : i32
    %scan3A_45 = arith.constant 8 : i32
    %scan3A_46 = arith.addi %scan3A_44, %scan3A_45 : i32
    %scan3A_47 = arith.constant 1 : i32
    scf.for %scan3A_49 = %scan3A_44 to %scan3A_46 step %scan3A_47  : i32 {
      %mul3A_50 = arith.constant 2 : i32
      %mul3A_51 = arith.muli %mul3A_50, %scan3A_49 : i32
      %add3A_52 = arith.constant 0 : i32
      %add3A_53 = arith.addi %mul3A_51, %add3A_52 : i32
      %dma_wait3A = arith.constant 0 : i32
      %dma_wait3A_54 = arith.constant 0 : i32
      %dma_wait3A_55 = tpu.memref_slice %arg6[%dma_wait3A, %dma_wait3A_54] : memref<128x256xf32, #tpu.memory_space<vmem>> -> memref<64x256xf32, #tpu.memory_space<vmem>>
      %dma_wait3A_56 = arith.constant 0 : i32
      %dma_wait3A_57 = tpu.memref_slice %arg5[%add3A_53, %dma_wait3A_56] : memref<16x128xi32, #tpu.memory_space<vmem>> -> memref<1x64xi32, #tpu.memory_space<vmem>>
      %dma_wait3A_58 = tpu.memref_squeeze %dma_wait3A_57 : memref<1x64xi32, #tpu.memory_space<vmem>> -> memref<64xi32, #tpu.memory_space<vmem>>
      %dma_wait3A_59 = arith.constant 0 : i32
      %dma_wait3A_60 = arith.constant 0 : i32
      %dma_wait3A_61 = tpu.memref_slice %arg2[%dma_wait3A_59, %dma_wait3A_60] : memref<15360x256xf32, #tpu.memory_space<hbm>> -> memref<15360x256xf32, #tpu.memory_space<hbm>>
      tpu.wait_indirect_dma semaphore(%arg8 : memref<!tpu.dma_semaphore, #tpu.memory_space<semaphore_mem>>) src(%dma_wait3A_61 : memref<15360x256xf32, #tpu.memory_space<hbm>>) dst(%dma_wait3A_55 : memref<64x256xf32, #tpu.memory_space<vmem>>)
      %dma_wait3A_62 = arith.constant 64 : i32
      %dma_wait3A_63 = arith.constant 0 : i32
      %dma_wait3A_64 = tpu.memref_slice %arg6[%dma_wait3A_62, %dma_wait3A_63] : memref<128x256xf32, #tpu.memory_space<vmem>> -> memref<64x256xf32, #tpu.memory_space<vmem>>
      %dma_wait3A_65 = arith.constant 64 : i32
      %dma_wait3A_66 = tpu.memref_slice %arg5[%add3A_53, %dma_wait3A_65] : memref<16x128xi32, #tpu.memory_space<vmem>> -> memref<1x64xi32, #tpu.memory_space<vmem>>
      %dma_wait3A_67 = tpu.memref_squeeze %dma_wait3A_66 : memref<1x64xi32, #tpu.memory_space<vmem>> -> memref<64xi32, #tpu.memory_space<vmem>>
      %dma_wait3A_68 = arith.constant 0 : i32
      %dma_wait3A_69 = arith.constant 0 : i32
      %dma_wait3A_70 = tpu.memref_slice %arg2[%dma_wait3A_68, %dma_wait3A_69] : memref<15360x256xf32, #tpu.memory_space<hbm>> -> memref<15360x256xf32, #tpu.memory_space<hbm>>
      tpu.wait_indirect_dma semaphore(%arg9 : memref<!tpu.dma_semaphore, #tpu.memory_space<semaphore_mem>>) src(%dma_wait3A_70 : memref<15360x256xf32, #tpu.memory_space<hbm>>) dst(%dma_wait3A_64 : memref<64x256xf32, #tpu.memory_space<vmem>>)
      %mul3A_71 = arith.constant 128 : i32
      %mul3A_72 = arith.muli %add3A_53, %mul3A_71 : i32
      %add3A_73 = arith.addi %mul3A_4, %mul3A_72 : i32
      "tpu.region"() ({
        %run_scoped3A = tpu.sem_alloc : memref<!tpu.dma_semaphore, #tpu.memory_space<semaphore_mem>>
        %dma_start3A_110 = arith.constant 0 : i32
        %dma_start3A_111 = tpu.memref_slice %arg4[%add3A_73, %dma_start3A_110] : memref<65536x256xf32, #tpu.memory_space<hbm>> -> memref<128x256xf32, #tpu.memory_space<hbm>>
        %dma_start3A_112 = arith.constant 0 : i32
        %dma_start3A_113 = tpu.memref_slice %arg4[%add3A_73, %dma_start3A_112] : memref<65536x256xf32, #tpu.memory_space<hbm>> -> memref<128x256xf32, #tpu.memory_space<hbm>>
        tpu.enqueue_dma source(%arg6 : memref<128x256xf32, #tpu.memory_space<vmem>>) target(%dma_start3A_113 : memref<128x256xf32, #tpu.memory_space<hbm>>) target_semaphore(%run_scoped3A : memref<!tpu.dma_semaphore, #tpu.memory_space<semaphore_mem>>)
        %dma_wait3A_114 = arith.constant 0 : i32
        %dma_wait3A_115 = tpu.memref_slice %arg4[%add3A_73, %dma_wait3A_114] : memref<65536x256xf32, #tpu.memory_space<hbm>> -> memref<128x256xf32, #tpu.memory_space<hbm>>
        %dma_wait3A_116 = arith.constant 0 : i32
        %dma_wait3A_117 = tpu.memref_slice %arg4[%add3A_73, %dma_wait3A_116] : memref<65536x256xf32, #tpu.memory_space<hbm>> -> memref<128x256xf32, #tpu.memory_space<hbm>>
        tpu.wait_dma2 semaphore(%run_scoped3A : memref<!tpu.dma_semaphore, #tpu.memory_space<semaphore_mem>>) src(%arg6 : memref<128x256xf32, #tpu.memory_space<vmem>>) dst(%dma_wait3A_117 : memref<128x256xf32, #tpu.memory_space<hbm>>)
        tpu.yield
      }) : () -> ()
      %add3A_74 = arith.constant 2 : i32
      %add3A_75 = arith.addi %add3A_53, %add3A_74 : i32
      %lt3A = arith.constant 16 : i32
      %lt3A_76 = arith.cmpi slt, %add3A_75, %lt3A : i32
      %convert_element_type3A = arith.extui %lt3A_76 : i1 to i32
      %cond3A = arith.constant 0 : i32
      %cond3A_77 = arith.cmpi ne, %convert_element_type3A, %cond3A : i32
      scf.if %cond3A_77 {
        %add3A_110 = arith.constant 2 : i32
        %add3A_111 = arith.addi %add3A_53, %add3A_110 : i32
        %dma_start3A_112 = arith.constant 0 : i32
        %dma_start3A_113 = arith.constant 0 : i32
        %dma_start3A_114 = tpu.memref_slice %arg6[%dma_start3A_112, %dma_start3A_113] : memref<128x256xf32, #tpu.memory_space<vmem>> -> memref<64x256xf32, #tpu.memory_space<vmem>>
        %dma_start3A_115 = arith.constant 0 : i32
        %dma_start3A_116 = tpu.memref_slice %arg5[%add3A_111, %dma_start3A_115] : memref<16x128xi32, #tpu.memory_space<vmem>> -> memref<1x64xi32, #tpu.memory_space<vmem>>
        %dma_start3A_117 = tpu.memref_squeeze %dma_start3A_116 : memref<1x64xi32, #tpu.memory_space<vmem>> -> memref<64xi32, #tpu.memory_space<vmem>>
        %dma_start3A_118 = arith.constant 0 : i32
        %dma_start3A_119 = arith.constant 0 : i32
        %dma_start3A_120 = tpu.memref_slice %arg2[%dma_start3A_118, %dma_start3A_119] : memref<15360x256xf32, #tpu.memory_space<hbm>> -> memref<15360x256xf32, #tpu.memory_space<hbm>>
        tpu.enqueue_indirect_dma source(%dma_start3A_120 : memref<15360x256xf32, #tpu.memory_space<hbm>>) target(%dma_start3A_114 : memref<64x256xf32, #tpu.memory_space<vmem>>) offsets(%dma_start3A_117 : memref<64xi32, #tpu.memory_space<vmem>>) semaphore(%arg8 : memref<!tpu.dma_semaphore, #tpu.memory_space<semaphore_mem>>)
        %dma_start3A_121 = arith.constant 64 : i32
        %dma_start3A_122 = arith.constant 0 : i32
        %dma_start3A_123 = tpu.memref_slice %arg6[%dma_start3A_121, %dma_start3A_122] : memref<128x256xf32, #tpu.memory_space<vmem>> -> memref<64x256xf32, #tpu.memory_space<vmem>>
        %dma_start3A_124 = arith.constant 64 : i32
        %dma_start3A_125 = tpu.memref_slice %arg5[%add3A_111, %dma_start3A_124] : memref<16x128xi32, #tpu.memory_space<vmem>> -> memref<1x64xi32, #tpu.memory_space<vmem>>
        %dma_start3A_126 = tpu.memref_squeeze %dma_start3A_125 : memref<1x64xi32, #tpu.memory_space<vmem>> -> memref<64xi32, #tpu.memory_space<vmem>>
        %dma_start3A_127 = arith.constant 0 : i32
        %dma_start3A_128 = arith.constant 0 : i32
        %dma_start3A_129 = tpu.memref_slice %arg2[%dma_start3A_127, %dma_start3A_128] : memref<15360x256xf32, #tpu.memory_space<hbm>> -> memref<15360x256xf32, #tpu.memory_space<hbm>>
        tpu.enqueue_indirect_dma source(%dma_start3A_129 : memref<15360x256xf32, #tpu.memory_space<hbm>>) target(%dma_start3A_123 : memref<64x256xf32, #tpu.memory_space<vmem>>) offsets(%dma_start3A_126 : memref<64xi32, #tpu.memory_space<vmem>>) semaphore(%arg9 : memref<!tpu.dma_semaphore, #tpu.memory_space<semaphore_mem>>)
      } else {
      }
      %mul3A_78 = arith.constant 2 : i32
      %mul3A_79 = arith.muli %mul3A_78, %scan3A_49 : i32
      %add3A_80 = arith.constant 1 : i32
      %add3A_81 = arith.addi %mul3A_79, %add3A_80 : i32
      %dma_wait3A_82 = arith.constant 0 : i32
      %dma_wait3A_83 = arith.constant 0 : i32
      %dma_wait3A_84 = tpu.memref_slice %arg7[%dma_wait3A_82, %dma_wait3A_83] : memref<128x256xf32, #tpu.memory_space<vmem>> -> memref<64x256xf32, #tpu.memory_space<vmem>>
      %dma_wait3A_85 = arith.constant 0 : i32
      %dma_wait3A_86 = tpu.memref_slice %arg5[%add3A_81, %dma_wait3A_85] : memref<16x128xi32, #tpu.memory_space<vmem>> -> memref<1x64xi32, #tpu.memory_space<vmem>>
      %dma_wait3A_87 = tpu.memref_squeeze %dma_wait3A_86 : memref<1x64xi32, #tpu.memory_space<vmem>> -> memref<64xi32, #tpu.memory_space<vmem>>
      %dma_wait3A_88 = arith.constant 0 : i32
      %dma_wait3A_89 = arith.constant 0 : i32
      %dma_wait3A_90 = tpu.memref_slice %arg2[%dma_wait3A_88, %dma_wait3A_89] : memref<15360x256xf32, #tpu.memory_space<hbm>> -> memref<15360x256xf32, #tpu.memory_space<hbm>>
      tpu.wait_indirect_dma semaphore(%arg10 : memref<!tpu.dma_semaphore, #tpu.memory_space<semaphore_mem>>) src(%dma_wait3A_90 : memref<15360x256xf32, #tpu.memory_space<hbm>>) dst(%dma_wait3A_84 : memref<64x256xf32, #tpu.memory_space<vmem>>)
      %dma_wait3A_91 = arith.constant 64 : i32
      %dma_wait3A_92 = arith.constant 0 : i32
      %dma_wait3A_93 = tpu.memref_slice %arg7[%dma_wait3A_91, %dma_wait3A_92] : memref<128x256xf32, #tpu.memory_space<vmem>> -> memref<64x256xf32, #tpu.memory_space<vmem>>
      %dma_wait3A_94 = arith.constant 64 : i32
      %dma_wait3A_95 = tpu.memref_slice %arg5[%add3A_81, %dma_wait3A_94] : memref<16x128xi32, #tpu.memory_space<vmem>> -> memref<1x64xi32, #tpu.memory_space<vmem>>
      %dma_wait3A_96 = tpu.memref_squeeze %dma_wait3A_95 : memref<1x64xi32, #tpu.memory_space<vmem>> -> memref<64xi32, #tpu.memory_space<vmem>>
      %dma_wait3A_97 = arith.constant 0 : i32
      %dma_wait3A_98 = arith.constant 0 : i32
      %dma_wait3A_99 = tpu.memref_slice %arg2[%dma_wait3A_97, %dma_wait3A_98] : memref<15360x256xf32, #tpu.memory_space<hbm>> -> memref<15360x256xf32, #tpu.memory_space<hbm>>
      tpu.wait_indirect_dma semaphore(%arg11 : memref<!tpu.dma_semaphore, #tpu.memory_space<semaphore_mem>>) src(%dma_wait3A_99 : memref<15360x256xf32, #tpu.memory_space<hbm>>) dst(%dma_wait3A_93 : memref<64x256xf32, #tpu.memory_space<vmem>>)
      %mul3A_100 = arith.constant 128 : i32
      %mul3A_101 = arith.muli %add3A_81, %mul3A_100 : i32
      %add3A_102 = arith.addi %mul3A_4, %mul3A_101 : i32
      "tpu.region"() ({
        %run_scoped3A = tpu.sem_alloc : memref<!tpu.dma_semaphore, #tpu.memory_space<semaphore_mem>>
        %dma_start3A_110 = arith.constant 0 : i32
        %dma_start3A_111 = tpu.memref_slice %arg4[%add3A_102, %dma_start3A_110] : memref<65536x256xf32, #tpu.memory_space<hbm>> -> memref<128x256xf32, #tpu.memory_space<hbm>>
        %dma_start3A_112 = arith.constant 0 : i32
        %dma_start3A_113 = tpu.memref_slice %arg4[%add3A_102, %dma_start3A_112] : memref<65536x256xf32, #tpu.memory_space<hbm>> -> memref<128x256xf32, #tpu.memory_space<hbm>>
        tpu.enqueue_dma source(%arg7 : memref<128x256xf32, #tpu.memory_space<vmem>>) target(%dma_start3A_113 : memref<128x256xf32, #tpu.memory_space<hbm>>) target_semaphore(%run_scoped3A : memref<!tpu.dma_semaphore, #tpu.memory_space<semaphore_mem>>)
        %dma_wait3A_114 = arith.constant 0 : i32
        %dma_wait3A_115 = tpu.memref_slice %arg4[%add3A_102, %dma_wait3A_114] : memref<65536x256xf32, #tpu.memory_space<hbm>> -> memref<128x256xf32, #tpu.memory_space<hbm>>
        %dma_wait3A_116 = arith.constant 0 : i32
        %dma_wait3A_117 = tpu.memref_slice %arg4[%add3A_102, %dma_wait3A_116] : memref<65536x256xf32, #tpu.memory_space<hbm>> -> memref<128x256xf32, #tpu.memory_space<hbm>>
        tpu.wait_dma2 semaphore(%run_scoped3A : memref<!tpu.dma_semaphore, #tpu.memory_space<semaphore_mem>>) src(%arg7 : memref<128x256xf32, #tpu.memory_space<vmem>>) dst(%dma_wait3A_117 : memref<128x256xf32, #tpu.memory_space<hbm>>)
        tpu.yield
      }) : () -> ()
      %add3A_103 = arith.constant 2 : i32
      %add3A_104 = arith.addi %add3A_81, %add3A_103 : i32
      %lt3A_105 = arith.constant 16 : i32
      %lt3A_106 = arith.cmpi slt, %add3A_104, %lt3A_105 : i32
      %convert_element_type3A_107 = arith.extui %lt3A_106 : i1 to i32
      %cond3A_108 = arith.constant 0 : i32
      %cond3A_109 = arith.cmpi ne, %convert_element_type3A_107, %cond3A_108 : i32
      scf.if %cond3A_109 {
        %add3A_110 = arith.constant 2 : i32
        %add3A_111 = arith.addi %add3A_81, %add3A_110 : i32
        %dma_start3A_112 = arith.constant 0 : i32
        %dma_start3A_113 = arith.constant 0 : i32
        %dma_start3A_114 = tpu.memref_slice %arg7[%dma_start3A_112, %dma_start3A_113] : memref<128x256xf32, #tpu.memory_space<vmem>> -> memref<64x256xf32, #tpu.memory_space<vmem>>
        %dma_start3A_115 = arith.constant 0 : i32
        %dma_start3A_116 = tpu.memref_slice %arg5[%add3A_111, %dma_start3A_115] : memref<16x128xi32, #tpu.memory_space<vmem>> -> memref<1x64xi32, #tpu.memory_space<vmem>>
        %dma_start3A_117 = tpu.memref_squeeze %dma_start3A_116 : memref<1x64xi32, #tpu.memory_space<vmem>> -> memref<64xi32, #tpu.memory_space<vmem>>
        %dma_start3A_118 = arith.constant 0 : i32
        %dma_start3A_119 = arith.constant 0 : i32
        %dma_start3A_120 = tpu.memref_slice %arg2[%dma_start3A_118, %dma_start3A_119] : memref<15360x256xf32, #tpu.memory_space<hbm>> -> memref<15360x256xf32, #tpu.memory_space<hbm>>
        tpu.enqueue_indirect_dma source(%dma_start3A_120 : memref<15360x256xf32, #tpu.memory_space<hbm>>) target(%dma_start3A_114 : memref<64x256xf32, #tpu.memory_space<vmem>>) offsets(%dma_start3A_117 : memref<64xi32, #tpu.memory_space<vmem>>) semaphore(%arg10 : memref<!tpu.dma_semaphore, #tpu.memory_space<semaphore_mem>>)
        %dma_start3A_121 = arith.constant 64 : i32
        %dma_start3A_122 = arith.constant 0 : i32
        %dma_start3A_123 = tpu.memref_slice %arg7[%dma_start3A_121, %dma_start3A_122] : memref<128x256xf32, #tpu.memory_space<vmem>> -> memref<64x256xf32, #tpu.memory_space<vmem>>
        %dma_start3A_124 = arith.constant 64 : i32
        %dma_start3A_125 = tpu.memref_slice %arg5[%add3A_111, %dma_start3A_124] : memref<16x128xi32, #tpu.memory_space<vmem>> -> memref<1x64xi32, #tpu.memory_space<vmem>>
        %dma_start3A_126 = tpu.memref_squeeze %dma_start3A_125 : memref<1x64xi32, #tpu.memory_space<vmem>> -> memref<64xi32, #tpu.memory_space<vmem>>
        %dma_start3A_127 = arith.constant 0 : i32
        %dma_start3A_128 = arith.constant 0 : i32
        %dma_start3A_129 = tpu.memref_slice %arg2[%dma_start3A_127, %dma_start3A_128] : memref<15360x256xf32, #tpu.memory_space<hbm>> -> memref<15360x256xf32, #tpu.memory_space<hbm>>
        tpu.enqueue_indirect_dma source(%dma_start3A_129 : memref<15360x256xf32, #tpu.memory_space<hbm>>) target(%dma_start3A_123 : memref<64x256xf32, #tpu.memory_space<vmem>>) offsets(%dma_start3A_126 : memref<64xi32, #tpu.memory_space<vmem>>) semaphore(%arg11 : memref<!tpu.dma_semaphore, #tpu.memory_space<semaphore_mem>>)
      } else {
      }
    }
    %scan3A_48 = arith.constant 8 : i32
    return
  }
}

module attributes {stable_mosaic.version = 14 : i64} {
  func.func @_quant_body(%arg0: memref<5x512x128xf32, #tpu.memory_space<vmem>>, %arg1: memref<512x128xi32, #tpu.memory_space<vmem>>) attributes {dimension_semantics = [], scalar_prefetch = 0 : i64, scratch_operands = 0 : i64, tpu.core_type = #tpu.core_type<tc>} {
    %get3A = arith.constant 0 : index
    %get3A_0 = arith.constant 0 : index
    %get3A_1 = arith.constant 0 : index
    %get3A_2 = vector.load %arg0[%get3A, %get3A_0, %get3A_1] : memref<5x512x128xf32, #tpu.memory_space<vmem>>, vector<1x512x128xf32>
    %get3A_3 = vector.shape_cast %get3A_2 : vector<1x512x128xf32> to vector<512x128xf32>
    %add3A = arith.constant 0.143695354 : f32
    %add3A_4 = vector.broadcast %add3A : f32 to vector<512x128xf32>
    %add3A_5 = arith.addf %get3A_3, %add3A_4 : vector<512x128xf32>
    %tanh3A = math.tanh %add3A_5 : vector<512x128xf32>
    %mul3A = arith.constant 3.50350022 : f32
    %mul3A_6 = vector.broadcast %mul3A : f32 to vector<512x128xf32>
    %mul3A_7 = arith.mulf %tanh3A, %mul3A_6 : vector<512x128xf32>
    %sub3A = arith.constant 5.000000e-01 : f32
    %sub3A_8 = vector.broadcast %sub3A : f32 to vector<512x128xf32>
    %sub3A_9 = arith.subf %mul3A_7, %sub3A_8 : vector<512x128xf32>
    %round3A = math.roundeven %sub3A_9 : vector<512x128xf32>
    %div3A = arith.constant 4.000000e+00 : f32
    %div3A_10 = vector.broadcast %div3A : f32 to vector<512x128xf32>
    %div3A_11 = arith.divf %round3A, %div3A_10 : vector<512x128xf32>
    %mul3A_12 = arith.constant 4.000000e+00 : f32
    %mul3A_13 = vector.broadcast %mul3A_12 : f32 to vector<512x128xf32>
    %mul3A_14 = arith.mulf %div3A_11, %mul3A_13 : vector<512x128xf32>
    %add3A_15 = arith.constant 4.000000e+00 : f32
    %add3A_16 = vector.broadcast %add3A_15 : f32 to vector<512x128xf32>
    %add3A_17 = arith.addf %mul3A_14, %add3A_16 : vector<512x128xf32>
    %mul3A_18 = arith.constant 1.000000e+00 : f32
    %mul3A_19 = vector.broadcast %mul3A_18 : f32 to vector<512x128xf32>
    %mul3A_20 = arith.mulf %add3A_17, %mul3A_19 : vector<512x128xf32>
    %get3A_21 = arith.constant 1 : index
    %get3A_22 = arith.constant 0 : index
    %get3A_23 = arith.constant 0 : index
    %get3A_24 = vector.load %arg0[%get3A_21, %get3A_22, %get3A_23] : memref<5x512x128xf32, #tpu.memory_space<vmem>>, vector<1x512x128xf32>
    %get3A_25 = vector.shape_cast %get3A_24 : vector<1x512x128xf32> to vector<512x128xf32>
    %add3A_26 = arith.constant 0.143695354 : f32
    %add3A_27 = vector.broadcast %add3A_26 : f32 to vector<512x128xf32>
    %add3A_28 = arith.addf %get3A_25, %add3A_27 : vector<512x128xf32>
    %tanh3A_29 = math.tanh %add3A_28 : vector<512x128xf32>
    %mul3A_30 = arith.constant 3.50350022 : f32
    %mul3A_31 = vector.broadcast %mul3A_30 : f32 to vector<512x128xf32>
    %mul3A_32 = arith.mulf %tanh3A_29, %mul3A_31 : vector<512x128xf32>
    %sub3A_33 = arith.constant 5.000000e-01 : f32
    %sub3A_34 = vector.broadcast %sub3A_33 : f32 to vector<512x128xf32>
    %sub3A_35 = arith.subf %mul3A_32, %sub3A_34 : vector<512x128xf32>
    %round3A_36 = math.roundeven %sub3A_35 : vector<512x128xf32>
    %div3A_37 = arith.constant 4.000000e+00 : f32
    %div3A_38 = vector.broadcast %div3A_37 : f32 to vector<512x128xf32>
    %div3A_39 = arith.divf %round3A_36, %div3A_38 : vector<512x128xf32>
    %mul3A_40 = arith.constant 4.000000e+00 : f32
    %mul3A_41 = vector.broadcast %mul3A_40 : f32 to vector<512x128xf32>
    %mul3A_42 = arith.mulf %div3A_39, %mul3A_41 : vector<512x128xf32>
    %add3A_43 = arith.constant 4.000000e+00 : f32
    %add3A_44 = vector.broadcast %add3A_43 : f32 to vector<512x128xf32>
    %add3A_45 = arith.addf %mul3A_42, %add3A_44 : vector<512x128xf32>
    %mul3A_46 = arith.constant 8.000000e+00 : f32
    %mul3A_47 = vector.broadcast %mul3A_46 : f32 to vector<512x128xf32>
    %mul3A_48 = arith.mulf %add3A_45, %mul3A_47 : vector<512x128xf32>
    %add3A_49 = arith.addf %mul3A_20, %mul3A_48 : vector<512x128xf32>
    %get3A_50 = arith.constant 2 : index
    %get3A_51 = arith.constant 0 : index
    %get3A_52 = arith.constant 0 : index
    %get3A_53 = vector.load %arg0[%get3A_50, %get3A_51, %get3A_52] : memref<5x512x128xf32, #tpu.memory_space<vmem>>, vector<1x512x128xf32>
    %get3A_54 = vector.shape_cast %get3A_53 : vector<1x512x128xf32> to vector<512x128xf32>
    %add3A_55 = arith.constant 0.143695354 : f32
    %add3A_56 = vector.broadcast %add3A_55 : f32 to vector<512x128xf32>
    %add3A_57 = arith.addf %get3A_54, %add3A_56 : vector<512x128xf32>
    %tanh3A_58 = math.tanh %add3A_57 : vector<512x128xf32>
    %mul3A_59 = arith.constant 3.50350022 : f32
    %mul3A_60 = vector.broadcast %mul3A_59 : f32 to vector<512x128xf32>
    %mul3A_61 = arith.mulf %tanh3A_58, %mul3A_60 : vector<512x128xf32>
    %sub3A_62 = arith.constant 5.000000e-01 : f32
    %sub3A_63 = vector.broadcast %sub3A_62 : f32 to vector<512x128xf32>
    %sub3A_64 = arith.subf %mul3A_61, %sub3A_63 : vector<512x128xf32>
    %round3A_65 = math.roundeven %sub3A_64 : vector<512x128xf32>
    %div3A_66 = arith.constant 4.000000e+00 : f32
    %div3A_67 = vector.broadcast %div3A_66 : f32 to vector<512x128xf32>
    %div3A_68 = arith.divf %round3A_65, %div3A_67 : vector<512x128xf32>
    %mul3A_69 = arith.constant 4.000000e+00 : f32
    %mul3A_70 = vector.broadcast %mul3A_69 : f32 to vector<512x128xf32>
    %mul3A_71 = arith.mulf %div3A_68, %mul3A_70 : vector<512x128xf32>
    %add3A_72 = arith.constant 4.000000e+00 : f32
    %add3A_73 = vector.broadcast %add3A_72 : f32 to vector<512x128xf32>
    %add3A_74 = arith.addf %mul3A_71, %add3A_73 : vector<512x128xf32>
    %mul3A_75 = arith.constant 6.400000e+01 : f32
    %mul3A_76 = vector.broadcast %mul3A_75 : f32 to vector<512x128xf32>
    %mul3A_77 = arith.mulf %add3A_74, %mul3A_76 : vector<512x128xf32>
    %add3A_78 = arith.addf %add3A_49, %mul3A_77 : vector<512x128xf32>
    %get3A_79 = arith.constant 3 : index
    %get3A_80 = arith.constant 0 : index
    %get3A_81 = arith.constant 0 : index
    %get3A_82 = vector.load %arg0[%get3A_79, %get3A_80, %get3A_81] : memref<5x512x128xf32, #tpu.memory_space<vmem>>, vector<1x512x128xf32>
    %get3A_83 = vector.shape_cast %get3A_82 : vector<1x512x128xf32> to vector<512x128xf32>
    %add3A_84 = arith.constant 0.202524424 : f32
    %add3A_85 = vector.broadcast %add3A_84 : f32 to vector<512x128xf32>
    %add3A_86 = arith.addf %get3A_83, %add3A_85 : vector<512x128xf32>
    %tanh3A_87 = math.tanh %add3A_86 : vector<512x128xf32>
    %mul3A_88 = arith.constant 2.502500e+00 : f32
    %mul3A_89 = vector.broadcast %mul3A_88 : f32 to vector<512x128xf32>
    %mul3A_90 = arith.mulf %tanh3A_87, %mul3A_89 : vector<512x128xf32>
    %sub3A_91 = arith.constant 5.000000e-01 : f32
    %sub3A_92 = vector.broadcast %sub3A_91 : f32 to vector<512x128xf32>
    %sub3A_93 = arith.subf %mul3A_90, %sub3A_92 : vector<512x128xf32>
    %round3A_94 = math.roundeven %sub3A_93 : vector<512x128xf32>
    %div3A_95 = arith.constant 3.000000e+00 : f32
    %div3A_96 = vector.broadcast %div3A_95 : f32 to vector<512x128xf32>
    %div3A_97 = arith.divf %round3A_94, %div3A_96 : vector<512x128xf32>
    %mul3A_98 = arith.constant 3.000000e+00 : f32
    %mul3A_99 = vector.broadcast %mul3A_98 : f32 to vector<512x128xf32>
    %mul3A_100 = arith.mulf %div3A_97, %mul3A_99 : vector<512x128xf32>
    %add3A_101 = arith.constant 3.000000e+00 : f32
    %add3A_102 = vector.broadcast %add3A_101 : f32 to vector<512x128xf32>
    %add3A_103 = arith.addf %mul3A_100, %add3A_102 : vector<512x128xf32>
    %mul3A_104 = arith.constant 5.120000e+02 : f32
    %mul3A_105 = vector.broadcast %mul3A_104 : f32 to vector<512x128xf32>
    %mul3A_106 = arith.mulf %add3A_103, %mul3A_105 : vector<512x128xf32>
    %add3A_107 = arith.addf %add3A_78, %mul3A_106 : vector<512x128xf32>
    %get3A_108 = arith.constant 4 : index
    %get3A_109 = arith.constant 0 : index
    %get3A_110 = arith.constant 0 : index
    %get3A_111 = vector.load %arg0[%get3A_108, %get3A_109, %get3A_110] : memref<5x512x128xf32, #tpu.memory_space<vmem>>, vector<1x512x128xf32>
    %get3A_112 = vector.shape_cast %get3A_111 : vector<1x512x128xf32> to vector<512x128xf32>
    %add3A_113 = arith.constant 0.000000e+00 : f32
    %add3A_114 = vector.broadcast %add3A_113 : f32 to vector<512x128xf32>
    %add3A_115 = arith.addf %get3A_112, %add3A_114 : vector<512x128xf32>
    %tanh3A_116 = math.tanh %add3A_115 : vector<512x128xf32>
    %mul3A_117 = arith.constant 2.002000e+00 : f32
    %mul3A_118 = vector.broadcast %mul3A_117 : f32 to vector<512x128xf32>
    %mul3A_119 = arith.mulf %tanh3A_116, %mul3A_118 : vector<512x128xf32>
    %sub3A_120 = arith.constant 0.000000e+00 : f32
    %sub3A_121 = vector.broadcast %sub3A_120 : f32 to vector<512x128xf32>
    %sub3A_122 = arith.subf %mul3A_119, %sub3A_121 : vector<512x128xf32>
    %round3A_123 = math.roundeven %sub3A_122 : vector<512x128xf32>
    %div3A_124 = arith.constant 2.000000e+00 : f32
    %div3A_125 = vector.broadcast %div3A_124 : f32 to vector<512x128xf32>
    %div3A_126 = arith.divf %round3A_123, %div3A_125 : vector<512x128xf32>
    %mul3A_127 = arith.constant 2.000000e+00 : f32
    %mul3A_128 = vector.broadcast %mul3A_127 : f32 to vector<512x128xf32>
    %mul3A_129 = arith.mulf %div3A_126, %mul3A_128 : vector<512x128xf32>
    %add3A_130 = arith.constant 2.000000e+00 : f32
    %add3A_131 = vector.broadcast %add3A_130 : f32 to vector<512x128xf32>
    %add3A_132 = arith.addf %mul3A_129, %add3A_131 : vector<512x128xf32>
    %mul3A_133 = arith.constant 3.072000e+03 : f32
    %mul3A_134 = vector.broadcast %mul3A_133 : f32 to vector<512x128xf32>
    %mul3A_135 = arith.mulf %add3A_132, %mul3A_134 : vector<512x128xf32>
    %add3A_136 = arith.addf %add3A_107, %mul3A_135 : vector<512x128xf32>
    %convert_element_type3A = arith.fptosi %add3A_136 : vector<512x128xf32> to vector<512x128xi32>
    %swap3A = arith.constant 0 : index
    %swap3A_137 = arith.constant 0 : index
    %swap3A_138 = vector.load %arg1[%swap3A, %swap3A_137] : memref<512x128xi32, #tpu.memory_space<vmem>>, vector<512x128xi32>
    tpu.vector_store %arg1[%swap3A, %swap3A_137], %convert_element_type3A {strides = array<i32>} : memref<512x128xi32, #tpu.memory_space<vmem>>, vector<512x128xi32>,
    return
  }
}

</mosaic_0001>

<sc_bundles>
// kernel: kernel.4.cloned.1.call-start
scs
__scs_entry_jumppad:
0x0: {  	(pc) =	sbr.rel $0x88, $3  }
0x1: {  	(tag) =	ssettag $0x0;
	lr =	simm.s32 $0x1  }
0x2: {  	[smem:$0x3F9F] =	sst lr;
	_ =	strace $0xD0000000  }
0x3: {  	_ = 	snop  }
0x4: {  	_ = 	snop  }
0x5: {  	_ = 	snop  }
0x6: {  	_ = 	snop  }
0x7: {  	_ = 	snop  }
__scs_overlays_trampoline_lowered:
0x8: {  	[smem:$0x3FAE] =	sst s0  }
0x9: {  	[smem:$0x3FAF] =	sst s1  }
0xa: {  	[smem:$0x3FB0] =	sst s2  }
0xb: {  	[smem:$0x3FB1] =	sst s3  }
0xc: {  	[smem:$0x3FB2] =	sst s4  }
0xd: {  	[smem:$0x3FB3] =	sst s5  }
0xe: {  	[smem:$0x3FB4] =	sst s6  }
0xf: {  	[smem:$0x3FB5] =	sst s7  }
0x10: {  	[smem:$0x3FB6] =	sst s8  }
0x11: {  	[smem:$0x3FB7] =	sst s9;
	s0 =	simm.s32 @!p0 $0x0  }
0x12: {  	s1 =	sld [smem:$0x3F9D];
	s0 =	simm.s32 @p0 $0x1  }
0x13: {  	[smem:$0x3FB8] =	sst s0;
	s0 =	simm.s32 @!p1 $0x0  }
0x14: {  	s2 =	sld [smem:$0x3F9C];
	s0 =	simm.s32 @p1 $0x1  }
0x15: {  	[smem:$0x3FB9] =	sst s0;
	s0 =	simm.s32 @!p2 $0x0  }
0x16: {  	s3 =	sld [smem:$0x3FDB];
	s0 =	simm.s32 @p2 $0x1  }
0x17: {  	s4 =	simm.s32 $0x1BF5;
	[smem:$0x3FBB] =	sst s0  }
0x18: {  	s0 =	sld [smem:$0x3F9E];
	_ =	swait.ge [sflag:s4], $0x0  }
0x19: {  	s7 =	sld [smem:$0x3F9F]  }
0x1a: {  	s8 =	sadd.s32 $0xFFFFE003, lr  }
0x1b: {  	s9 =	sadd.s32 $0xFFFFFEF7, lr;
	s5 =	simm.s32 $0xFFFFFFFF;
	p2 =	slt.u32 s8, $0xFFFFF086  }
0x1c: {  	p1 =	slt.u32 s9, $0xF7A;
	s5 =	simm.s32 @!p2 $0x0  }
0x1d: {  	s5 =	simm.s32 @p1 $0x1;
	p0 =	seq.s32 s7, s2  }
0x1e: {  	s7 =	smul.u32 @!p0 $0xF7A, s2;
	p2 =	seq.s32 @!p0 s5, $0x0  }
0x1f: {  	s9 =	smul.u32 $0xF7A, s1;
	s8 =	simm.s32 @!p0 $0x1BF5;
	p2 =	por !p2, p0  }
0x20: {  	[sflag:s8] =	ssyncset.s32 @!p0 $0xFFFFF086;
	s6 =	sadd.s32 @!p0 s3, s7;
	s7 =	simm.s32 @!p0 $0x108  }
0x21: {  	s3 =	sadd.s32 s3, s9;
	s6 =	sadd.s32 @!p0 $0x88, s6;
	s7 =	simm.s32 @p2 $0x1082  }
0x22: {  	[simem:s7], [sflag:s8] =	dma.local @!p0 [hbm:s6], $0xF7A  }
0x23: {  	s9 =	sor.u32 $0xD0000000, s2;
	s6 =	simm.s32 $0x108;
	_ =	swait.ge @!p0 [sflag:s8], $0x0  }
0x24: {  	s3 =	sadd.s32 $0x88, s3;
	s6 =	simm.s32 @!p1 $0x1082;
	[sflag:s4] =	ssyncset.s32 $0xFFFFF086  }
0x25: {  	[simem:s6], [sflag:s4] =	dma.local [hbm:s3], $0xF7A  }
0x26: {  	[smem:$0x3F9F] =	sst s1;
	(tag) =	ssettag s2;
	_ =	strace s9  }
0x27: {  	s1 =	sld [smem:$0x3FAF]  }
0x28: {  	s2 =	sld [smem:$0x3FB0]  }
0x29: {  	s4 =	sld [smem:$0x3FB2]  }
0x2a: {  	p0 =	seq.s32 s5, $0x0;
	s5 =	sld [smem:$0x3FB3]  }
0x2b: {  	s6 =	sld [smem:$0x3FB4]  }
0x2c: {  	s7 =	sld [smem:$0x3FB5]  }
0x2d: {  	s3 =	simm.s32 $0x108;
	s8 =	sld [smem:$0x3FB6]  }
0x2e: {  	s3 =	simm.s32 @!p0 $0x1082;
	s9 =	sld [smem:$0x3FB7]  }
0x2f: {  	lr =	sadd.s32 s0, s3;
	s0 =	sld [smem:$0x3FAE]  }
0x30: {  	s3 =	sld [smem:$0x3FB1]  }
0x31: {  	[smem:$0x3FBA] =	sst s10  }
0x32: {  	s10 =	sld [smem:$0x3FB8];
	_ =	sdelay $0x3  }
0x33: {  	p0 =	seq.s32 s10, $0x1;
	s10 =	sld [smem:$0x3FBA];
	_ =	sdelay $0x3  }
0x34: {  	[smem:$0x3FBA] =	sst s10  }
0x35: {  	s10 =	sld [smem:$0x3FB9];
	_ =	sdelay $0x3  }
0x36: {  	p1 =	seq.s32 s10, $0x1;
	s10 =	sld [smem:$0x3FBA];
	_ =	sdelay $0x3  }
0x37: {  	[smem:$0x3FBA] =	sst s10  }
0x38: {  	s10 =	sld [smem:$0x3FBB]  }
0x39: {  	_ = 	snop;
	(pc) =	sbr.ind lr, $3  }
0x3a: {  	_ = 	snop  }
0x3b: {  	_ = 	snop  }
0x3c: {  	p2 =	seq.s32 s10, $0x1;
	s10 =	sld [smem:$0x3FBA]  }
0x3d: {  	_ =	shalt  }
0x3e: {  	_ =	shalt  }
0x3f: {  	_ =	shalt  }
0x40: {  	_ =	shalt  }
0x41: {  	_ =	shalt  }
0x42: {  	_ =	shalt  }
0x43: {  	_ =	shalt  }
0x44: {  	_ =	shalt  }
0x45: {  	_ =	shalt  }
0x46: {  	_ =	shalt  }
0x47: {  	_ =	shalt  }
0x48: {  	_ =	shalt  }
0x49: {  	_ =	shalt  }
0x4a: {  	_ =	shalt  }
0x4b: {  	_ =	shalt  }
0x4c: {  	_ =	shalt  }
0x4d: {  	_ =	shalt  }
0x4e: {  	_ =	shalt  }
0x4f: {  	_ =	shalt  }
0x50: {  	_ =	shalt  }
0x51: {  	_ =	shalt  }
0x52: {  	_ =	shalt  }
0x53: {  	_ =	shalt  }
0x54: {  	_ =	shalt  }
0x55: {  	_ =	shalt  }
0x56: {  	_ =	shalt  }
0x57: {  	_ =	shalt  }
0x58: {  	_ =	shalt  }
0x59: {  	_ =	shalt  }
0x5a: {  	_ =	shalt  }
0x5b: {  	_ =	shalt  }
0x5c: {  	_ =	shalt  }
0x5d: {  	_ =	shalt  }
0x5e: {  	_ =	shalt  }
0x5f: {  	_ =	shalt  }
0x60: {  	_ =	shalt  }
0x61: {  	_ =	shalt  }
0x62: {  	_ =	shalt  }
0x63: {  	_ =	shalt  }
0x64: {  	_ =	shalt  }
0x65: {  	_ =	shalt  }
0x66: {  	_ =	shalt  }
0x67: {  	_ =	shalt  }
0x68: {  	_ =	shalt  }
0x69: {  	_ =	shalt  }
0x6a: {  	_ =	shalt  }
0x6b: {  	_ =	shalt  }
0x6c: {  	_ =	shalt  }
0x6d: {  	_ =	shalt  }
0x6e: {  	_ =	shalt  }
0x6f: {  	_ =	shalt  }
0x70: {  	_ =	shalt  }
0x71: {  	_ =	shalt  }
0x72: {  	_ =	shalt  }
0x73: {  	_ =	shalt  }
0x74: {  	_ =	shalt  }
0x75: {  	_ =	shalt  }
0x76: {  	_ =	shalt  }
0x77: {  	_ =	shalt  }
0x78: {  	_ =	shalt  }
0x79: {  	_ =	shalt  }
0x7a: {  	_ =	shalt  }
0x7b: {  	_ =	shalt  }
0x7c: {  	_ =	shalt  }
0x7d: {  	_ =	shalt  }
0x7e: {  	_ =	shalt  }
0x7f: {  	_ =	shalt  }
0x80: {  	_ =	shalt  }
0x81: {  	_ =	shalt  }
0x82: {  	_ =	shalt  }
0x83: {  	_ =	shalt  }
0x84: {  	_ =	shalt  }
0x85: {  	_ =	shalt  }
0x86: {  	_ =	shalt  }
0x87: {  	_ =	shalt  }
.Lfunc_end0:
.L_simem_size_0:
called_computation_lowered:
.L_overlay_start_0:
0x88: {  	s2 =	sld [smem:$0x3FD9]  }
0x89: {  	s3 =	sld [smem:$0x3FFE];
	_ =	sdelay $0x1  }
0x8a: {  	s1 =	srdreg.scid  }
0x8b: {  	s0 =	sand.u32 $0x1, s1  }
0x8c: {  	s14 =	sshll.u32 s0, $0xA;
	s2 =	sadd.s32 s3, s2  }
0x8d: {  	s2 =	sadd.s32 s2, s14  }
0x8e: {  	[smem:$0x3FC6] =	sst s2  }
0x8f: {  	_ = 	snop  }
0x90: {  	s2 =	sld [smem:$0x3FD0];
	_ =	sdelay $0x2  }
0x91: {  	s4 =	simm.s32 $0xA;
	s5 =	simm.s32 $0x10;
	s15 =	sld [smem:$0x3FC8]  }
0x92: {  	[smem:s5], [sflag:s4] =	dma.local [hbm:s2], $0x1  }
0x93: {  	_ =	swait.eq [sflag:s4], $0x1  }
0x94: {  	[sflag:s4] =	ssyncset.done $0x0  }
0x95: {  	[sflag:s4] =	ssyncadd.s32 $0xFFFFFFFF  }
0x96: {  	s16 =	sld [smem:$0x10];
	(tm) =	ssettm $0x1  }
0x97: {  	s17 =	sld [smem:$0x3FFB];
	_ =	sdelay $0x3  }
0x98: {  	_ =	strace s17  }
0x99: {  	s4 =	sld [smem:$0x3FFC];
	_ =	sdelay $0x3  }
0x9a: {  	_ =	strace s4  }
0x9b: {  	s4 =	sld [smem:$0x3FFD];
	_ =	sdelay $0x3  }
0x9c: {  	_ =	strace s4  }
0x9d: {  	_ =	strace $0x8FFFFFFF  }
0x9e: {  	s18 =	sld [smem:$0x3FDB];
	_ =	sdelay $0x1  }
0x9f: {  	s19 =	simm.s32 $_scs_section_size  }
0xa0: {  	s6 =	simm.s32 $_size__tile_overlayer_lowered;
	s7 =	simm.s32 $_tile_overlayer_lowered  }
0xa1: {  	s22 =	simm.s32 $0x1BFF;
	s21 =	sshll.u32 s7, $0x1;
	s4 =	sadd.s32 s19, s18  }
0xa2: {  	s8 =	simm.s32 $0x0;
	s20 =	sshll.u32 s6, $0x1;
	s6 =	sadd.s32 s21, s4  }
0xa3: {  	[timem:s8], [sflag:s22] =	dma.local [hbm:s6], s20  }
0xa4: {  	_ =	swait.ge [sflag:s22], s20  }
0xa5: {  	s5 =	ssub.s32 $0x0, s20;
	[sflag:s22] =	ssyncset.done $0x0  }
0xa6: {  	[sflag:s22] =	ssyncadd.s32 s5;
	_ =	sdelay $0x1  }
0xa7: {  	s23 =	simm.s32 $0x1B8B  }
0xa8: {  	_ =	swait.ge [sflag:s23], $0x1  }
0xa9: {  	[sflag:s23] =	ssyncset.done $0x0  }
0xaa: {  	s25 =	simm.s32 $0x1B8E;
	s24 =	sld [smem:$0x3FFE];
	[sflag:s23] =	ssyncadd.s32 $0xFFFFFFFF  }
0xab: {  	s26 =	simm.s32 $execute0_lowered;
	[smem:$0x3FD2] =	sst s25  }
0xac: {  	s6 =	sshll.u32 s26, $0x1;
	_ =	strace $0x80000046;
	[dreg:$0x1] =	wrdreg $0xFFFFFFFF  }
0xad: {  	s28 =	simm.s32 $_size_execute0_lowered;
	s4 =	sadd.s32 s4, s6;
	[dreg:$0x0] =	wrdreg $0x0  }
0xae: {  	s6 =	sshll.u32 s28, $0x1;
	[dreg:$0x2] =	wrdreg s4  }
0xaf: {  	[dreg:$0x3] =	wrdreg s6  }
0xb0: {  	[dreg:$0x4] =	wrdreg $0xC0  }
0xb1: {  	_ =	task [dreg:s8], $0x5FFFF  }
0xb2: {  	[dreg:$0x1] =	wrdreg $0xFFFFFFFF  }
0xb3: {  	[dreg:$0x0] =	wrdreg $0x60  }
0xb4: {  	[dreg:$0x2] =	wrdreg s15  }
0xb5: {  	[dreg:$0x3] =	wrdreg s24  }
0xb6: {  	[dreg:$0x4] =	wrdreg s16  }
0xb7: {  	[dreg:$0x5] =	wrdreg $0x9  }
0xb8: {  	_ =	task.clear_ibuf [dreg:s8], $0x6FFFF;
	_ =	strace $0x90000046  }
0xb9: {  	s29 =	simm.s32 $0x9;
	_ =	strace $0x80000048  }
0xba: {  	_ =	swait.ge [sflag:s29], $0x1  }
0xbb: {  	[sflag:s29] =	ssyncadd.s32 $0xFFFFFFFF  }
0xbc: {  	_ =	strace $0x90000048  }
0xbd: {  	_ =	sfence  }
0xbe: {  	s30 =	sld [smem:$0x0];
	_ =	sdelay $0x2  }
0xbf: {  	s31 =	sshll.u32 s1, $0xD;
	s1 =	sshrl.u32 s1, $0x2  }
0xc0: {  	s3 =	sand.u32 $0x4000, s31;
	s1 =	sadd.s32 s1, s30  }
0xc1: {  	s0 =	sor.u32 s3, s0;
	s1 =	sshll.u32 s1, $0x11  }
0xc2: {  	s0 =	sor.u32 s1, s0  }
0xc3: {  	s0 =	sadd.s32 $0x8F2B, s0  }
0xc4: {  	[sflag:s0] =	ssyncadd.remote.s32 $0x1  }
0xc5: {  	_ =	sfence.sel $0xFFFF  }
0xc6: {  	[dreg:$0x0] =	wrdreg $0xFFFFFFFF;
	(pc) =	sbr.abs _section_cstart, $3  }
0xc7: {  	[dreg:$0x1] =	wrdreg $0xFFFFFFFF  }
0xc8: {  	_ =	task.clear_ibuf [dreg:s8], $0x2FFFF;
	_ =	strace $0x9FFFFFFF  }
0xc9: {  	(tm) =	ssettm $0x7FFFFFFF  }
tec
execute0_lowered:
.L_overlay_start_1:
0x0: {  	(tag) =	ssettag $0x1  }
0x1: {  	s1 =	rddreg [dreg:$0x0]  }
0x2: {  	s0 =	rddreg [dreg:$0x1]  }
0x3: {  	s2 =	rddreg [dreg:$0x2]  }
0x4: {  	s3 =	srdreg.scid;
	s7 =	stileid.u32  }
0x5: {  	s8 =	simm.s32 $0x800;
	s22 =	simm.s32 $0x7800;
	s28 =	simm.s32 $0xA000  }
0x6: {  	s29 =	simm.s32 $0xA800;
	s30 =	simm.s32 $0xB000;
	s31 =	simm.s32 $0xB800  }
0x7: {  	s9 =	simm.s32 $0xE000;
	s10 =	simm.s32 $0xE800;
	s11 =	simm.s32 $0xF000  }
0x8: {  	s12 =	simm.s32 $0xF800;
	s13 =	simm.s32 $0x10000;
	s14 =	simm.s32 $0x1  }
0x9: {  	s15 =	simm.s32 $0x2;
	s16 =	simm.s32 $0x3;
	s17 =	simm.s32 $0x4  }
0xa: {  	s19 =	simm.s32 $0x0;
	s4 =	sand.u32 $0x1, s3;
	s3 =	simm.s32 $0x0  }
0xb: {  	s5 =	sshll.u32 s7, $0x9;
	s25 =	sshll.u32 s7, $0x11;
	s7 =	simm.s32 $0x5  }
0xc: {  	s6 =	sshll.u32 s4, $0x8;
	[smem:$0x7FF] =	sst s3;
	s23 =	ssub.s32 $0x2, s4  }
0xd: {  	s26 =	sshll.u32 s4, $0x10;
	s4 =	simm.s32 $0xD000;
	s5 =	sor.u32 s6, s5  }
0xe: {  	_ =	strace $0x80000047;
	s24 =	sshrl.u32 s23, $0x1;
	s0 =	sadd.s32 s5, s0  }
.Ltmp0:
0xf: {  	s5 =	ssub.s32 s23, s24;
	s0 =	sadd.s32 $0x800, s0;
	(pc) =	sbr.rel .LBB2_1-.Ltmp0, $4  }
0x10: {  	s23 =	simm.s32 $0x8000;
	s5 =	smax.u32 s5, $0x1;
	[dreg:$0x4] =	wrdreg s0  }
0x11: {  	v2 =	vlaneseq.u32;
	s24 =	simm.s32 $0x8800;
	[dreg:$0x5] =	wrdreg s5;
	s0 =	sadd.s32 s25, s2  }
0x12: {  	vm0 =	vmmov $0xffff;
	v1 =	vshrl.u32 v2, $0x3;
	s25 =	simm.s32 $0x9000;
	s2 =	simm.s32 $0xC800;
	s5 =	simm.s32 $0xD800  }
0x13: {  	v0 =	vand.u32 $0x7, v2;
	v2 =	vor.u32 $0x8, v2;
	v1 =	vmul.u32 $0x8, v1;
	s6 =	sadd.s32 s26, s0;
	s26 =	simm.s32 $0x9800;
	s0 =	simm.s32 $0xC000  }
.LBB2_6:
0x14: {  	s19 =	rddreg [dreg:$0x6]  }
0x15: {  	s18 =	rddreg [dreg:$0x5];
	s19 =	sadd.s32 $0x1, s19  }
0x16: {  	p0 =	sne.s32 s19, s18  }
.Ltmp1:
0x17: {  	_ = 	snop;
	(pc) =	sbr.rel @!p0 .LBB2_7-.Ltmp1, $1  }
0x18: {  	_ =	sdelay $0x3  }
.LBB2_1:
0x19: {  	[dreg:$0x6] =	wrdreg s19  }
0x1a: {  	s18 =	rddreg [dreg:$0x4]  }
0x1b: {  	[tilespmem:s3], [sflag:$0x5] =	stream.linear.gather [hbm4b:s18+s3], $0x800, $0x38;
	[tilespmem:$0x10800] =	vst v63  }
0x1c: {  	_ =	swait.ge [sflag:s7], $0x800  }
0x1d: {  	[sflag:s7] =	ssyncset.done $0x0  }
0x1e: {  	[sflag:s7] =	ssyncadd.s32 $0xFFFFF800  }
0x1f: {  	v3 =	vld [tilespmem:$0x0];
	_ =	sdelay $0x4  }
0x20: {  	v4 =	vshll.u32 v3, $0x1  }
0x21: {  	v3 =	vand.u32 $0x7, v3;
	v4 =	vand.u32 $0xFFFFFFF0, v4  }
0x22: {  	v3 =	vor.u32 v3, v4  }
0x23: {  	v4 =	vperm.xlane v3, v0;
	_ =	sdelay $0x1  }
0x24: {  	v3 =	vperm.xlane v3, v2;
	v4 =	vadd.s32 v1, v4;
	_ =	sdelay $0x1  }
0x25: {  	v3 =	vadd.s32 v1, v3;
	_ =	sdelay $0x2  }
0x26: {  	[tilespmem:s8], [sflag:$0x1] =	stream.indirect_vreg.gather [hbm4b:s1+s3], $0x80, v4, vm0, $0xb8;
	[tilespmem:$0x10800] =	vst v63  }
0x27: {  	s21 =	simm.s32 $0x1000  }
0x28: {  	[tilespmem:s21], [sflag:$0x1] =	stream.indirect_vreg.gather [hbm4b:s1+s3], $0x80, v3, vm0, $0xb8;
	[tilespmem:$0x10800] =	vst v63  }
0x29: {  	v3 =	vld [tilespmem:$0x10];
	_ =	sdelay $0x4  }
0x2a: {  	v49 =	vshll.u32 v3, $0x1  }
0x2b: {  	v3 =	vand.u32 $0x7, v3;
	v4 =	vand.u32 $0xFFFFFFF0, v49  }
0x2c: {  	v3 =	vor.u32 v3, v4  }
0x2d: {  	v4 =	vperm.xlane v3, v0;
	_ =	sdelay $0x1  }
0x2e: {  	v3 =	vperm.xlane v3, v2;
	v4 =	vadd.s32 v1, v4;
	_ =	sdelay $0x1  }
0x2f: {  	v3 =	vadd.s32 v1, v3;
	_ =	sdelay $0x1  }
0x30: {  	s19 =	simm.s32 $0x1800  }
0x31: {  	[tilespmem:s19], [sflag:$0x1] =	stream.indirect_vreg.gather [hbm4b:s1+s3], $0x80, v4, vm0, $0xb8;
	[tilespmem:$0x10800] =	vst v63  }
0x32: {  	s20 =	simm.s32 $0x2000  }
0x33: {  	[tilespmem:s20], [sflag:$0x1] =	stream.indirect_vreg.gather [hbm4b:s1+s3], $0x80, v3, vm0, $0xb8;
	[tilespmem:$0x10800] =	vst v63  }
0x34: {  	v3 =	vld [tilespmem:$0x20];
	_ =	sdelay $0x4  }
0x35: {  	v50 =	vshll.u32 v3, $0x1  }
0x36: {  	v3 =	vand.u32 $0x7, v3;
	v4 =	vand.u32 $0xFFFFFFF0, v50  }
0x37: {  	v3 =	vor.u32 v3, v4  }
0x38: {  	v4 =	vperm.xlane v3, v0;
	_ =	sdelay $0x1  }
0x39: {  	v3 =	vperm.xlane v3, v2;
	v4 =	vadd.s32 v1, v4;
	_ =	sdelay $0x1  }
0x3a: {  	v3 =	vadd.s32 v1, v3;
	_ =	sdelay $0x1  }
0x3b: {  	s21 =	simm.s32 $0x2800  }
0x3c: {  	[tilespmem:s21], [sflag:$0x1] =	stream.indirect_vreg.gather [hbm4b:s1+s3], $0x80, v4, vm0, $0xb8;
	[tilespmem:$0x10800] =	vst v63  }
0x3d: {  	s19 =	simm.s32 $0x3000  }
0x3e: {  	[tilespmem:s19], [sflag:$0x1] =	stream.indirect_vreg.gather [hbm4b:s1+s3], $0x80, v3, vm0, $0xb8;
	[tilespmem:$0x10800] =	vst v63  }
0x3f: {  	v3 =	vld [tilespmem:$0x30];
	_ =	sdelay $0x4  }
0x40: {  	v51 =	vshll.u32 v3, $0x1  }
0x41: {  	v3 =	vand.u32 $0x7, v3;
	v4 =	vand.u32 $0xFFFFFFF0, v51  }
0x42: {  	v3 =	vor.u32 v3, v4  }
0x43: {  	v4 =	vperm.xlane v3, v0;
	_ =	sdelay $0x1  }
0x44: {  	v3 =	vperm.xlane v3, v2;
	v4 =	vadd.s32 v1, v4;
	_ =	sdelay $0x1  }
0x45: {  	v3 =	vadd.s32 v1, v3;
	_ =	sdelay $0x1  }
0x46: {  	s20 =	simm.s32 $0x3800  }
0x47: {  	[tilespmem:s20], [sflag:$0x1] =	stream.indirect_vreg.gather [hbm4b:s1+s3], $0x80, v4, vm0, $0xb8;
	[tilespmem:$0x10800] =	vst v63  }
0x48: {  	s21 =	simm.s32 $0x4000  }
0x49: {  	[tilespmem:s21], [sflag:$0x1] =	stream.indirect_vreg.gather [hbm4b:s1+s3], $0x80, v3, vm0, $0xb8;
	[tilespmem:$0x10800] =	vst v63  }
0x4a: {  	v3 =	vld [tilespmem:$0x40];
	_ =	sdelay $0x4  }
0x4b: {  	v52 =	vshll.u32 v3, $0x1  }
0x4c: {  	v3 =	vand.u32 $0x7, v3;
	v4 =	vand.u32 $0xFFFFFFF0, v52  }
0x4d: {  	v3 =	vor.u32 v3, v4  }
0x4e: {  	v4 =	vperm.xlane v3, v0;
	_ =	sdelay $0x1  }
0x4f: {  	v3 =	vperm.xlane v3, v2;
	v4 =	vadd.s32 v1, v4;
	_ =	sdelay $0x1  }
0x50: {  	v3 =	vadd.s32 v1, v3;
	_ =	sdelay $0x1  }
0x51: {  	s19 =	simm.s32 $0x4800  }
0x52: {  	[tilespmem:s19], [sflag:$0x2] =	stream.indirect_vreg.gather [hbm4b:s1+s3], $0x80, v4, vm0, $0xb8;
	[tilespmem:$0x10800] =	vst v63  }
0x53: {  	s20 =	simm.s32 $0x5000  }
0x54: {  	[tilespmem:s20], [sflag:$0x2] =	stream.indirect_vreg.gather [hbm4b:s1+s3], $0x80, v3, vm0, $0xb8;
	[tilespmem:$0x10800] =	vst v63  }
0x55: {  	v3 =	vld [tilespmem:$0x50];
	_ =	sdelay $0x4  }
0x56: {  	v53 =	vshll.u32 v3, $0x1  }
0x57: {  	v3 =	vand.u32 $0x7, v3;
	v4 =	vand.u32 $0xFFFFFFF0, v53  }
0x58: {  	v3 =	vor.u32 v3, v4  }
0x59: {  	v4 =	vperm.xlane v3, v0;
	_ =	sdelay $0x1  }
0x5a: {  	v3 =	vperm.xlane v3, v2;
	v4 =	vadd.s32 v1, v4;
	_ =	sdelay $0x1  }
0x5b: {  	v3 =	vadd.s32 v1, v3;
	_ =	sdelay $0x1  }
0x5c: {  	s21 =	simm.s32 $0x5800  }
0x5d: {  	[tilespmem:s21], [sflag:$0x2] =	stream.indirect_vreg.gather [hbm4b:s1+s3], $0x80, v4, vm0, $0xb8;
	[tilespmem:$0x10800] =	vst v63  }
0x5e: {  	s19 =	simm.s32 $0x6000  }
0x5f: {  	[tilespmem:s19], [sflag:$0x2] =	stream.indirect_vreg.gather [hbm4b:s1+s3], $0x80, v3, vm0, $0xb8;
	[tilespmem:$0x10800] =	vst v63  }
0x60: {  	v3 =	vld [tilespmem:$0x60];
	_ =	sdelay $0x4  }
0x61: {  	v54 =	vshll.u32 v3, $0x1  }
0x62: {  	v3 =	vand.u32 $0x7, v3;
	v4 =	vand.u32 $0xFFFFFFF0, v54  }
0x63: {  	v3 =	vor.u32 v3, v4  }
0x64: {  	v4 =	vperm.xlane v3, v0;
	_ =	sdelay $0x1  }
0x65: {  	v3 =	vperm.xlane v3, v2;
	v4 =	vadd.s32 v1, v4;
	_ =	sdelay $0x1  }
0x66: {  	v3 =	vadd.s32 v1, v3;
	_ =	sdelay $0x1  }
0x67: {  	s20 =	simm.s32 $0x6800  }
0x68: {  	[tilespmem:s20], [sflag:$0x2] =	stream.indirect_vreg.gather [hbm4b:s1+s3], $0x80, v4, vm0, $0xb8;
	[tilespmem:$0x10800] =	vst v63  }
0x69: {  	s21 =	simm.s32 $0x7000  }
0x6a: {  	[tilespmem:s21], [sflag:$0x2] =	stream.indirect_vreg.gather [hbm4b:s1+s3], $0x80, v3, vm0, $0xb8;
	[tilespmem:$0x10800] =	vst v63  }
0x6b: {  	v3 =	vld [tilespmem:$0x70];
	_ =	sdelay $0x4  }
0x6c: {  	v55 =	vshll.u32 v3, $0x1  }
0x6d: {  	v3 =	vand.u32 $0x7, v3;
	v4 =	vand.u32 $0xFFFFFFF0, v55  }
0x6e: {  	v3 =	vor.u32 v3, v4  }
0x6f: {  	v4 =	vperm.xlane v3, v0;
	_ =	sdelay $0x1  }
0x70: {  	v3 =	vperm.xlane v3, v2;
	v4 =	vadd.s32 v1, v4;
	_ =	sdelay $0x1  }
0x71: {  	v3 =	vadd.s32 v1, v3;
	_ =	sdelay $0x2  }
0x72: {  	[tilespmem:s22], [sflag:$0x2] =	stream.indirect_vreg.gather [hbm4b:s1+s3], $0x80, v4, vm0, $0xb8;
	[tilespmem:$0x10800] =	vst v63  }
0x73: {  	_ = 	snop  }
0x74: {  	[tilespmem:s23], [sflag:$0x2] =	stream.indirect_vreg.gather [hbm4b:s1+s3], $0x80, v3, vm0, $0xb8;
	[tilespmem:$0x10800] =	vst v63  }
0x75: {  	v3 =	vld [tilespmem:$0x80];
	_ =	sdelay $0x4  }
0x76: {  	v56 =	vshll.u32 v3, $0x1  }
0x77: {  	v3 =	vand.u32 $0x7, v3;
	v4 =	vand.u32 $0xFFFFFFF0, v56  }
0x78: {  	v3 =	vor.u32 v3, v4  }
0x79: {  	v4 =	vperm.xlane v3, v0;
	_ =	sdelay $0x1  }
0x7a: {  	v3 =	vperm.xlane v3, v2;
	v4 =	vadd.s32 v1, v4;
	_ =	sdelay $0x1  }
0x7b: {  	v3 =	vadd.s32 v1, v3;
	_ =	sdelay $0x2  }
0x7c: {  	[tilespmem:s24], [sflag:$0x3] =	stream.indirect_vreg.gather [hbm4b:s1+s3], $0x80, v4, vm0, $0xb8;
	[tilespmem:$0x10800] =	vst v63  }
0x7d: {  	_ = 	snop  }
0x7e: {  	[tilespmem:s25], [sflag:$0x3] =	stream.indirect_vreg.gather [hbm4b:s1+s3], $0x80, v3, vm0, $0xb8;
	[tilespmem:$0x10800] =	vst v63  }
0x7f: {  	v3 =	vld [tilespmem:$0x90];
	_ =	sdelay $0x4  }
0x80: {  	v57 =	vshll.u32 v3, $0x1  }
0x81: {  	v3 =	vand.u32 $0x7, v3;
	v4 =	vand.u32 $0xFFFFFFF0, v57  }
0x82: {  	v3 =	vor.u32 v3, v4  }
0x83: {  	v4 =	vperm.xlane v3, v0;
	_ =	sdelay $0x1  }
0x84: {  	v3 =	vperm.xlane v3, v2;
	v4 =	vadd.s32 v1, v4;
	_ =	sdelay $0x1  }
0x85: {  	v3 =	vadd.s32 v1, v3;
	_ =	sdelay $0x2  }
0x86: {  	[tilespmem:s26], [sflag:$0x3] =	stream.indirect_vreg.gather [hbm4b:s1+s3], $0x80, v4, vm0, $0xb8;
	[tilespmem:$0x10800] =	vst v63  }
0x87: {  	_ = 	snop  }
0x88: {  	[tilespmem:s28], [sflag:$0x3] =	stream.indirect_vreg.gather [hbm4b:s1+s3], $0x80, v3, vm0, $0xb8;
	[tilespmem:$0x10800] =	vst v63  }
0x89: {  	v3 =	vld [tilespmem:$0xA0];
	_ =	sdelay $0x4  }
0x8a: {  	v58 =	vshll.u32 v3, $0x1  }
0x8b: {  	v3 =	vand.u32 $0x7, v3;
	v4 =	vand.u32 $0xFFFFFFF0, v58  }
0x8c: {  	v3 =	vor.u32 v3, v4  }
0x8d: {  	v4 =	vperm.xlane v3, v0;
	_ =	sdelay $0x1  }
0x8e: {  	v3 =	vperm.xlane v3, v2;
	v4 =	vadd.s32 v1, v4;
	_ =	sdelay $0x1  }
0x8f: {  	v3 =	vadd.s32 v1, v3;
	_ =	sdelay $0x2  }
0x90: {  	[tilespmem:s29], [sflag:$0x3] =	stream.indirect_vreg.gather [hbm4b:s1+s3], $0x80, v4, vm0, $0xb8;
	[tilespmem:$0x10800] =	vst v63  }
0x91: {  	_ = 	snop  }
0x92: {  	[tilespmem:s30], [sflag:$0x3] =	stream.indirect_vreg.gather [hbm4b:s1+s3], $0x80, v3, vm0, $0xb8;
	[tilespmem:$0x10800] =	vst v63  }
0x93: {  	v3 =	vld [tilespmem:$0xB0];
	_ =	sdelay $0x4  }
0x94: {  	v59 =	vshll.u32 v3, $0x1  }
0x95: {  	v3 =	vand.u32 $0x7, v3;
	v4 =	vand.u32 $0xFFFFFFF0, v59  }
0x96: {  	v3 =	vor.u32 v3, v4  }
0x97: {  	v4 =	vperm.xlane v3, v0;
	_ =	sdelay $0x1  }
0x98: {  	v3 =	vperm.xlane v3, v2;
	v4 =	vadd.s32 v1, v4;
	_ =	sdelay $0x1  }
0x99: {  	v3 =	vadd.s32 v1, v3;
	_ =	sdelay $0x2  }
0x9a: {  	[tilespmem:s31], [sflag:$0x3] =	stream.indirect_vreg.gather [hbm4b:s1+s3], $0x80, v4, vm0, $0xb8;
	[tilespmem:$0x10800] =	vst v63  }
0x9b: {  	_ = 	snop  }
0x9c: {  	[tilespmem:s0], [sflag:$0x3] =	stream.indirect_vreg.gather [hbm4b:s1+s3], $0x80, v3, vm0, $0xb8;
	[tilespmem:$0x10800] =	vst v63  }
0x9d: {  	v3 =	vld [tilespmem:$0xC0];
	_ =	sdelay $0x4  }
0x9e: {  	v60 =	vshll.u32 v3, $0x1  }
0x9f: {  	v3 =	vand.u32 $0x7, v3;
	v4 =	vand.u32 $0xFFFFFFF0, v60  }
0xa0: {  	v3 =	vor.u32 v3, v4  }
0xa1: {  	v4 =	vperm.xlane v3, v0;
	_ =	sdelay $0x1  }
0xa2: {  	v3 =	vperm.xlane v3, v2;
	v4 =	vadd.s32 v1, v4;
	_ =	sdelay $0x1  }
0xa3: {  	v3 =	vadd.s32 v1, v3;
	_ =	sdelay $0x2  }
0xa4: {  	[tilespmem:s2], [sflag:$0x4] =	stream.indirect_vreg.gather [hbm4b:s1+s3], $0x80, v4, vm0, $0xb8;
	[tilespmem:$0x10800] =	vst v63  }
0xa5: {  	_ = 	snop  }
0xa6: {  	[tilespmem:s4], [sflag:$0x4] =	stream.indirect_vreg.gather [hbm4b:s1+s3], $0x80, v3, vm0, $0xb8;
	[tilespmem:$0x10800] =	vst v63  }
0xa7: {  	v3 =	vld [tilespmem:$0xD0];
	_ =	sdelay $0x4  }
0xa8: {  	v61 =	vshll.u32 v3, $0x1  }
0xa9: {  	v3 =	vand.u32 $0x7, v3;
	v4 =	vand.u32 $0xFFFFFFF0, v61  }
0xaa: {  	v3 =	vor.u32 v3, v4  }
0xab: {  	v4 =	vperm.xlane v3, v0;
	_ =	sdelay $0x1  }
0xac: {  	v3 =	vperm.xlane v3, v2;
	v4 =	vadd.s32 v1, v4;
	_ =	sdelay $0x1  }
0xad: {  	v3 =	vadd.s32 v1, v3;
	_ =	sdelay $0x2  }
0xae: {  	[tilespmem:s5], [sflag:$0x4] =	stream.indirect_vreg.gather [hbm4b:s1+s3], $0x80, v4, vm0, $0xb8;
	[tilespmem:$0x10800] =	vst v63  }
0xaf: {  	_ = 	snop  }
0xb0: {  	[tilespmem:s9], [sflag:$0x4] =	stream.indirect_vreg.gather [hbm4b:s1+s3], $0x80, v3, vm0, $0xb8;
	[tilespmem:$0x10800] =	vst v63  }
0xb1: {  	v3 =	vld [tilespmem:$0xE0];
	_ =	sdelay $0x4  }
0xb2: {  	v62 =	vshll.u32 v3, $0x1  }
0xb3: {  	v3 =	vand.u32 $0x7, v3;
	v4 =	vand.u32 $0xFFFFFFF0, v62  }
0xb4: {  	v3 =	vor.u32 v3, v4  }
0xb5: {  	v4 =	vperm.xlane v3, v0;
	_ =	sdelay $0x1  }
0xb6: {  	v3 =	vperm.xlane v3, v2;
	v4 =	vadd.s32 v1, v4;
	_ =	sdelay $0x1  }
0xb7: {  	v3 =	vadd.s32 v1, v3;
	_ =	sdelay $0x2  }
0xb8: {  	[tilespmem:s10], [sflag:$0x4] =	stream.indirect_vreg.gather [hbm4b:s1+s3], $0x80, v4, vm0, $0xb8;
	[tilespmem:$0x10800] =	vst v63  }
0xb9: {  	_ = 	snop  }
0xba: {  	[tilespmem:s11], [sflag:$0x4] =	stream.indirect_vreg.gather [hbm4b:s1+s3], $0x80, v3, vm0, $0xb8;
	[tilespmem:$0x10800] =	vst v63  }
0xbb: {  	v3 =	vld [tilespmem:$0xF0];
	_ =	sdelay $0x4  }
0xbc: {  	v63 =	vshll.u32 v3, $0x1  }
0xbd: {  	v3 =	vand.u32 $0x7, v3;
	v4 =	vand.u32 $0xFFFFFFF0, v63  }
0xbe: {  	v3 =	vor.u32 v3, v4  }
0xbf: {  	v4 =	vperm.xlane v3, v0;
	_ =	sdelay $0x1  }
0xc0: {  	v3 =	vperm.xlane v3, v2;
	v4 =	vadd.s32 v1, v4;
	_ =	sdelay $0x1  }
0xc1: {  	v3 =	vadd.s32 v1, v3;
	_ =	sdelay $0x2  }
0xc2: {  	[tilespmem:s12], [sflag:$0x4] =	stream.indirect_vreg.gather [hbm4b:s1+s3], $0x80, v4, vm0, $0xb8;
	[tilespmem:$0x10800] =	vst v63  }
0xc3: {  	s18 =	simm.s32 $0x1F0;
	s19 =	simm.s32 $0x0  }
0xc4: {  	[tilespmem:s13], [sflag:$0x4] =	stream.indirect_vreg.gather [hbm4b:s1+s3], $0x80, v3, vm0, $0xb8;
	[tilespmem:$0x10800] =	vst v63  }
.LBB2_2:
0xc5: {  	_ =	swait.ge [sflag:s14], $0x4000  }
0xc6: {  	[sflag:s14] =	ssyncset.done $0x0  }
0xc7: {  	[sflag:s14] =	ssyncadd.s32 $0xFFFFC000  }
0xc8: {  	_ =	swait.ge [sflag:s15], $0x4000  }
0xc9: {  	p0 =	seq.s32 s19, $0xE000;
	[sflag:s15] =	ssyncset.done $0x0  }
.Ltmp2:
0xca: {  	s20 =	sadd.s32 s19, s6;
	[sflag:s15] =	ssyncadd.s32 $0xFFFFC000;
	(pc) =	sbr.rel @p0 .LBB2_4-.Ltmp2, $4  }
0xcb: {  	[hbm4b:s20+s3] =	stream.linear.scatter [tilespmem:s8], [sflag:$0x5], $0x8000, $0x38;
	[tilespmem:$0x10800] =	vst v63  }
0xcc: {  	_ =	swait.ge [sflag:s7], $0x8000  }
0xcd: {  	[sflag:s7] =	ssyncset.done $0x0  }
0xce: {  	[sflag:s7] =	ssyncadd.s32 $0xFFFF8000  }
0xcf: {  	v3 =	vld [tilespmem:s18+$0xFFFFFF10];
	_ =	sdelay $0x4  }
0xd0: {  	v4 =	vshll.u32 v3, $0x1  }
0xd1: {  	v3 =	vand.u32 $0x7, v3;
	v4 =	vand.u32 $0xFFFFFFF0, v4  }
0xd2: {  	v3 =	vor.u32 v3, v4  }
0xd3: {  	v4 =	vperm.xlane v3, v0;
	_ =	sdelay $0x1  }
0xd4: {  	v3 =	vperm.xlane v3, v2;
	v4 =	vadd.s32 v1, v4;
	_ =	sdelay $0x1  }
0xd5: {  	v3 =	vadd.s32 v1, v3;
	_ =	sdelay $0x2  }
0xd6: {  	[tilespmem:s8], [sflag:$0x1] =	stream.indirect_vreg.gather [hbm4b:s1+s3], $0x80, v4, vm0, $0xb8;
	[tilespmem:$0x10800] =	vst v63  }
0xd7: {  	s21 =	simm.s32 $0x1000  }
0xd8: {  	[tilespmem:s21], [sflag:$0x1] =	stream.indirect_vreg.gather [hbm4b:s1+s3], $0x80, v3, vm0, $0xb8;
	[tilespmem:$0x10800] =	vst v63  }
0xd9: {  	v3 =	vld [tilespmem:s18+$0xFFFFFF20];
	_ =	sdelay $0x4  }
0xda: {  	v57 =	vshll.u32 v3, $0x1  }
0xdb: {  	v3 =	vand.u32 $0x7, v3;
	v4 =	vand.u32 $0xFFFFFFF0, v57  }
0xdc: {  	v3 =	vor.u32 v3, v4  }
0xdd: {  	v4 =	vperm.xlane v3, v0;
	_ =	sdelay $0x1  }
0xde: {  	v3 =	vperm.xlane v3, v2;
	v4 =	vadd.s32 v1, v4;
	_ =	sdelay $0x1  }
0xdf: {  	v3 =	vadd.s32 v1, v3;
	_ =	sdelay $0x1  }
0xe0: {  	s21 =	simm.s32 $0x1800  }
0xe1: {  	[tilespmem:s21], [sflag:$0x1] =	stream.indirect_vreg.gather [hbm4b:s1+s3], $0x80, v4, vm0, $0xb8;
	[tilespmem:$0x10800] =	vst v63  }
0xe2: {  	s21 =	simm.s32 $0x2000  }
0xe3: {  	[tilespmem:s21], [sflag:$0x1] =	stream.indirect_vreg.gather [hbm4b:s1+s3], $0x80, v3, vm0, $0xb8;
	[tilespmem:$0x10800] =	vst v63  }
0xe4: {  	v3 =	vld [tilespmem:s18+$0xFFFFFF30];
	_ =	sdelay $0x4  }
0xe5: {  	v58 =	vshll.u32 v3, $0x1  }
0xe6: {  	v3 =	vand.u32 $0x7, v3;
	v4 =	vand.u32 $0xFFFFFFF0, v58  }
0xe7: {  	v3 =	vor.u32 v3, v4  }
0xe8: {  	v4 =	vperm.xlane v3, v0;
	_ =	sdelay $0x1  }
0xe9: {  	v3 =	vperm.xlane v3, v2;
	v4 =	vadd.s32 v1, v4;
	_ =	sdelay $0x1  }
0xea: {  	v3 =	vadd.s32 v1, v3;
	_ =	sdelay $0x1  }
0xeb: {  	s21 =	simm.s32 $0x2800  }
0xec: {  	[tilespmem:s21], [sflag:$0x1] =	stream.indirect_vreg.gather [hbm4b:s1+s3], $0x80, v4, vm0, $0xb8;
	[tilespmem:$0x10800] =	vst v63  }
0xed: {  	s21 =	simm.s32 $0x3000  }
0xee: {  	[tilespmem:s21], [sflag:$0x1] =	stream.indirect_vreg.gather [hbm4b:s1+s3], $0x80, v3, vm0, $0xb8;
	[tilespmem:$0x10800] =	vst v63  }
0xef: {  	v3 =	vld [tilespmem:s18+$0xFFFFFF40];
	_ =	sdelay $0x4  }
0xf0: {  	v59 =	vshll.u32 v3, $0x1  }
0xf1: {  	v3 =	vand.u32 $0x7, v3;
	v4 =	vand.u32 $0xFFFFFFF0, v59  }
0xf2: {  	v3 =	vor.u32 v3, v4  }
0xf3: {  	v4 =	vperm.xlane v3, v0;
	_ =	sdelay $0x1  }
0xf4: {  	v3 =	vperm.xlane v3, v2;
	v4 =	vadd.s32 v1, v4;
	_ =	sdelay $0x1  }
0xf5: {  	v3 =	vadd.s32 v1, v3;
	_ =	sdelay $0x1  }
0xf6: {  	s21 =	simm.s32 $0x3800  }
0xf7: {  	[tilespmem:s21], [sflag:$0x1] =	stream.indirect_vreg.gather [hbm4b:s1+s3], $0x80, v4, vm0, $0xb8;
	[tilespmem:$0x10800] =	vst v63  }
0xf8: {  	s21 =	simm.s32 $0x4000  }
0xf9: {  	[tilespmem:s21], [sflag:$0x1] =	stream.indirect_vreg.gather [hbm4b:s1+s3], $0x80, v3, vm0, $0xb8;
	[tilespmem:$0x10800] =	vst v63  }
0xfa: {  	v3 =	vld [tilespmem:s18+$0xFFFFFF50];
	_ =	sdelay $0x4  }
0xfb: {  	v60 =	vshll.u32 v3, $0x1  }
0xfc: {  	v3 =	vand.u32 $0x7, v3;
	v4 =	vand.u32 $0xFFFFFFF0, v60  }
0xfd: {  	v3 =	vor.u32 v3, v4  }
0xfe: {  	v4 =	vperm.xlane v3, v0;
	_ =	sdelay $0x1  }
0xff: {  	v3 =	vperm.xlane v3, v2;
	v4 =	vadd.s32 v1, v4;
	_ =	sdelay $0x1  }
0x100: {  	v3 =	vadd.s32 v1, v3;
	_ =	sdelay $0x1  }
0x101: {  	s21 =	simm.s32 $0x4800  }
0x102: {  	[tilespmem:s21], [sflag:$0x2] =	stream.indirect_vreg.gather [hbm4b:s1+s3], $0x80, v4, vm0, $0xb8;
	[tilespmem:$0x10800] =	vst v63  }
0x103: {  	s21 =	simm.s32 $0x5000  }
0x104: {  	[tilespmem:s21], [sflag:$0x2] =	stream.indirect_vreg.gather [hbm4b:s1+s3], $0x80, v3, vm0, $0xb8;
	[tilespmem:$0x10800] =	vst v63  }
0x105: {  	v3 =	vld [tilespmem:s18+$0xFFFFFF60];
	_ =	sdelay $0x4  }
0x106: {  	v61 =	vshll.u32 v3, $0x1  }
0x107: {  	v3 =	vand.u32 $0x7, v3;
	v4 =	vand.u32 $0xFFFFFFF0, v61  }
0x108: {  	v3 =	vor.u32 v3, v4  }
0x109: {  	v4 =	vperm.xlane v3, v0;
	_ =	sdelay $0x1  }
0x10a: {  	v3 =	vperm.xlane v3, v2;
	v4 =	vadd.s32 v1, v4;
	_ =	sdelay $0x1  }
0x10b: {  	v3 =	vadd.s32 v1, v3;
	_ =	sdelay $0x1  }
0x10c: {  	s21 =	simm.s32 $0x5800  }
0x10d: {  	[tilespmem:s21], [sflag:$0x2] =	stream.indirect_vreg.gather [hbm4b:s1+s3], $0x80, v4, vm0, $0xb8;
	[tilespmem:$0x10800] =	vst v63  }
0x10e: {  	s21 =	simm.s32 $0x6000  }
0x10f: {  	[tilespmem:s21], [sflag:$0x2] =	stream.indirect_vreg.gather [hbm4b:s1+s3], $0x80, v3, vm0, $0xb8;
	[tilespmem:$0x10800] =	vst v63  }
0x110: {  	v3 =	vld [tilespmem:s18+$0xFFFFFF70];
	_ =	sdelay $0x4  }
0x111: {  	v62 =	vshll.u32 v3, $0x1  }
0x112: {  	v3 =	vand.u32 $0x7, v3;
	v4 =	vand.u32 $0xFFFFFFF0, v62  }
0x113: {  	v3 =	vor.u32 v3, v4  }
0x114: {  	v4 =	vperm.xlane v3, v0;
	_ =	sdelay $0x1  }
0x115: {  	v3 =	vperm.xlane v3, v2;
	v4 =	vadd.s32 v1, v4;
	_ =	sdelay $0x1  }
0x116: {  	v3 =	vadd.s32 v1, v3;
	_ =	sdelay $0x1  }
0x117: {  	s21 =	simm.s32 $0x6800  }
0x118: {  	[tilespmem:s21], [sflag:$0x2] =	stream.indirect_vreg.gather [hbm4b:s1+s3], $0x80, v4, vm0, $0xb8;
	[tilespmem:$0x10800] =	vst v63  }
0x119: {  	s21 =	simm.s32 $0x7000  }
0x11a: {  	[tilespmem:s21], [sflag:$0x2] =	stream.indirect_vreg.gather [hbm4b:s1+s3], $0x80, v3, vm0, $0xb8;
	[tilespmem:$0x10800] =	vst v63  }
0x11b: {  	v3 =	vld [tilespmem:s18+$0xFFFFFF80];
	_ =	sdelay $0x4  }
0x11c: {  	v63 =	vshll.u32 v3, $0x1  }
0x11d: {  	v3 =	vand.u32 $0x7, v3;
	v4 =	vand.u32 $0xFFFFFFF0, v63  }
0x11e: {  	v3 =	vor.u32 v3, v4  }
0x11f: {  	v4 =	vperm.xlane v3, v0;
	_ =	sdelay $0x1  }
0x120: {  	v3 =	vperm.xlane v3, v2;
	v4 =	vadd.s32 v1, v4;
	_ =	sdelay $0x1  }
0x121: {  	v3 =	vadd.s32 v1, v3;
	_ =	sdelay $0x2  }
0x122: {  	[tilespmem:s22], [sflag:$0x2] =	stream.indirect_vreg.gather [hbm4b:s1+s3], $0x80, v4, vm0, $0xb8;
	[tilespmem:$0x10800] =	vst v63  }
0x123: {  	_ = 	snop  }
0x124: {  	[tilespmem:s23], [sflag:$0x2] =	stream.indirect_vreg.gather [hbm4b:s1+s3], $0x80, v3, vm0, $0xb8;
	[tilespmem:$0x10800] =	vst v63  }
.LBB2_4:
0x125: {  	_ =	swait.ge [sflag:s16], $0x4000  }
0x126: {  	[sflag:s16] =	ssyncset.done $0x0  }
0x127: {  	[sflag:s16] =	ssyncadd.s32 $0xFFFFC000  }
0x128: {  	_ =	swait.ge [sflag:s17], $0x4000  }
0x129: {  	[sflag:s17] =	ssyncset.done $0x0  }
.Ltmp3:
0x12a: {  	s20 =	sadd.s32 $0x1000, s20;
	[sflag:s17] =	ssyncadd.s32 $0xFFFFC000;
	(pc) =	sbr.rel @p0 .LBB2_6-.Ltmp3, $4  }
0x12b: {  	[hbm4b:s20+s3] =	stream.linear.scatter [tilespmem:s24], [sflag:$0x5], $0x8000, $0x38;
	[tilespmem:$0x10800] =	vst v63  }
0x12c: {  	_ =	swait.ge [sflag:s7], $0x8000  }
0x12d: {  	[sflag:s7] =	ssyncset.done $0x0  }
0x12e: {  	[sflag:s7] =	ssyncadd.s32 $0xFFFF8000  }
0x12f: {  	v3 =	vld [tilespmem:s18+$0xFFFFFF90];
	_ =	sdelay $0x4  }
0x130: {  	v4 =	vshll.u32 v3, $0x1  }
0x131: {  	v3 =	vand.u32 $0x7, v3;
	v4 =	vand.u32 $0xFFFFFFF0, v4  }
0x132: {  	v3 =	vor.u32 v3, v4  }
0x133: {  	v4 =	vperm.xlane v3, v0;
	_ =	sdelay $0x1  }
0x134: {  	v3 =	vperm.xlane v3, v2;
	v4 =	vadd.s32 v1, v4;
	_ =	sdelay $0x1  }
0x135: {  	v3 =	vadd.s32 v1, v3;
	_ =	sdelay $0x2  }
0x136: {  	[tilespmem:s24], [sflag:$0x3] =	stream.indirect_vreg.gather [hbm4b:s1+s3], $0x80, v4, vm0, $0xb8;
	[tilespmem:$0x10800] =	vst v63  }
0x137: {  	_ = 	snop  }
0x138: {  	[tilespmem:s25], [sflag:$0x3] =	stream.indirect_vreg.gather [hbm4b:s1+s3], $0x80, v3, vm0, $0xb8;
	[tilespmem:$0x10800] =	vst v63  }
0x139: {  	v3 =	vld [tilespmem:s18+$0xFFFFFFA0];
	_ =	sdelay $0x4  }
0x13a: {  	v57 =	vshll.u32 v3, $0x1  }
0x13b: {  	v3 =	vand.u32 $0x7, v3;
	v4 =	vand.u32 $0xFFFFFFF0, v57  }
0x13c: {  	v3 =	vor.u32 v3, v4  }
0x13d: {  	v4 =	vperm.xlane v3, v0;
	_ =	sdelay $0x1  }
0x13e: {  	v3 =	vperm.xlane v3, v2;
	v4 =	vadd.s32 v1, v4;
	_ =	sdelay $0x1  }
0x13f: {  	v3 =	vadd.s32 v1, v3;
	_ =	sdelay $0x2  }
0x140: {  	[tilespmem:s26], [sflag:$0x3] =	stream.indirect_vreg.gather [hbm4b:s1+s3], $0x80, v4, vm0, $0xb8;
	[tilespmem:$0x10800] =	vst v63  }
0x141: {  	_ = 	snop  }
0x142: {  	[tilespmem:s28], [sflag:$0x3] =	stream.indirect_vreg.gather [hbm4b:s1+s3], $0x80, v3, vm0, $0xb8;
	[tilespmem:$0x10800] =	vst v63  }
0x143: {  	v3 =	vld [tilespmem:s18+$0xFFFFFFB0];
	_ =	sdelay $0x4  }
0x144: {  	v58 =	vshll.u32 v3, $0x1  }
0x145: {  	v3 =	vand.u32 $0x7, v3;
	v4 =	vand.u32 $0xFFFFFFF0, v58  }
0x146: {  	v3 =	vor.u32 v3, v4  }
0x147: {  	v4 =	vperm.xlane v3, v0;
	_ =	sdelay $0x1  }
0x148: {  	v3 =	vperm.xlane v3, v2;
	v4 =	vadd.s32 v1, v4;
	_ =	sdelay $0x1  }
0x149: {  	v3 =	vadd.s32 v1, v3;
	_ =	sdelay $0x2  }
0x14a: {  	[tilespmem:s29], [sflag:$0x3] =	stream.indirect_vreg.gather [hbm4b:s1+s3], $0x80, v4, vm0, $0xb8;
	[tilespmem:$0x10800] =	vst v63  }
0x14b: {  	_ = 	snop  }
0x14c: {  	[tilespmem:s30], [sflag:$0x3] =	stream.indirect_vreg.gather [hbm4b:s1+s3], $0x80, v3, vm0, $0xb8;
	[tilespmem:$0x10800] =	vst v63  }
0x14d: {  	v3 =	vld [tilespmem:s18+$0xFFFFFFC0];
	_ =	sdelay $0x4  }
0x14e: {  	v59 =	vshll.u32 v3, $0x1  }
0x14f: {  	v3 =	vand.u32 $0x7, v3;
	v4 =	vand.u32 $0xFFFFFFF0, v59  }
0x150: {  	v3 =	vor.u32 v3, v4  }
0x151: {  	v4 =	vperm.xlane v3, v0;
	_ =	sdelay $0x1  }
0x152: {  	v3 =	vperm.xlane v3, v2;
	v4 =	vadd.s32 v1, v4;
	_ =	sdelay $0x1  }
0x153: {  	v3 =	vadd.s32 v1, v3;
	_ =	sdelay $0x2  }
0x154: {  	[tilespmem:s31], [sflag:$0x3] =	stream.indirect_vreg.gather [hbm4b:s1+s3], $0x80, v4, vm0, $0xb8;
	[tilespmem:$0x10800] =	vst v63  }
0x155: {  	_ = 	snop  }
0x156: {  	[tilespmem:s0], [sflag:$0x3] =	stream.indirect_vreg.gather [hbm4b:s1+s3], $0x80, v3, vm0, $0xb8;
	[tilespmem:$0x10800] =	vst v63  }
0x157: {  	v3 =	vld [tilespmem:s18+$0xFFFFFFD0];
	_ =	sdelay $0x4  }
0x158: {  	v60 =	vshll.u32 v3, $0x1  }
0x159: {  	v3 =	vand.u32 $0x7, v3;
	v4 =	vand.u32 $0xFFFFFFF0, v60  }
0x15a: {  	v3 =	vor.u32 v3, v4  }
0x15b: {  	v4 =	vperm.xlane v3, v0;
	_ =	sdelay $0x1  }
0x15c: {  	v3 =	vperm.xlane v3, v2;
	v4 =	vadd.s32 v1, v4;
	_ =	sdelay $0x1  }
0x15d: {  	v3 =	vadd.s32 v1, v3;
	_ =	sdelay $0x2  }
0x15e: {  	[tilespmem:s2], [sflag:$0x4] =	stream.indirect_vreg.gather [hbm4b:s1+s3], $0x80, v4, vm0, $0xb8;
	[tilespmem:$0x10800] =	vst v63  }
0x15f: {  	_ = 	snop  }
0x160: {  	[tilespmem:s4], [sflag:$0x4] =	stream.indirect_vreg.gather [hbm4b:s1+s3], $0x80, v3, vm0, $0xb8;
	[tilespmem:$0x10800] =	vst v63  }
0x161: {  	v3 =	vld [tilespmem:s18+$0xFFFFFFE0];
	_ =	sdelay $0x4  }
0x162: {  	v61 =	vshll.u32 v3, $0x1  }
0x163: {  	v3 =	vand.u32 $0x7, v3;
	v4 =	vand.u32 $0xFFFFFFF0, v61  }
0x164: {  	v3 =	vor.u32 v3, v4  }
0x165: {  	v4 =	vperm.xlane v3, v0;
	_ =	sdelay $0x1  }
0x166: {  	v3 =	vperm.xlane v3, v2;
	v4 =	vadd.s32 v1, v4;
	_ =	sdelay $0x1  }
0x167: {  	v3 =	vadd.s32 v1, v3;
	_ =	sdelay $0x2  }
0x168: {  	[tilespmem:s5], [sflag:$0x4] =	stream.indirect_vreg.gather [hbm4b:s1+s3], $0x80, v4, vm0, $0xb8;
	[tilespmem:$0x10800] =	vst v63  }
0x169: {  	_ = 	snop  }
0x16a: {  	[tilespmem:s9], [sflag:$0x4] =	stream.indirect_vreg.gather [hbm4b:s1+s3], $0x80, v3, vm0, $0xb8;
	[tilespmem:$0x10800] =	vst v63  }
0x16b: {  	v3 =	vld [tilespmem:s18+$0xFFFFFFF0];
	_ =	sdelay $0x4  }
0x16c: {  	v62 =	vshll.u32 v3, $0x1  }
0x16d: {  	v3 =	vand.u32 $0x7, v3;
	v4 =	vand.u32 $0xFFFFFFF0, v62  }
0x16e: {  	v3 =	vor.u32 v3, v4  }
0x16f: {  	v4 =	vperm.xlane v3, v0;
	_ =	sdelay $0x1  }
0x170: {  	v3 =	vperm.xlane v3, v2;
	v4 =	vadd.s32 v1, v4;
	_ =	sdelay $0x1  }
0x171: {  	v3 =	vadd.s32 v1, v3;
	_ =	sdelay $0x2  }
0x172: {  	[tilespmem:s10], [sflag:$0x4] =	stream.indirect_vreg.gather [hbm4b:s1+s3], $0x80, v4, vm0, $0xb8;
	[tilespmem:$0x10800] =	vst v63  }
0x173: {  	_ = 	snop  }
0x174: {  	[tilespmem:s11], [sflag:$0x4] =	stream.indirect_vreg.gather [hbm4b:s1+s3], $0x80, v3, vm0, $0xb8;
	[tilespmem:$0x10800] =	vst v63  }
0x175: {  	v3 =	vld [tilespmem:s18+$0x0];
	_ =	sdelay $0x4  }
0x176: {  	v63 =	vshll.u32 v3, $0x1  }
0x177: {  	v3 =	vand.u32 $0x7, v3;
	v4 =	vand.u32 $0xFFFFFFF0, v63  }
0x178: {  	v3 =	vor.u32 v3, v4  }
0x179: {  	v4 =	vperm.xlane v3, v0;
	_ =	sdelay $0x1  }
0x17a: {  	v3 =	vperm.xlane v3, v2;
	v4 =	vadd.s32 v1, v4;
	_ =	sdelay $0x1  }
0x17b: {  	v3 =	vadd.s32 v1, v3  }
.Ltmp4:
0x17c: {  	_ = 	snop;
	(pc) =	sbr.rel .LBB2_2-.Ltmp4, $4  }
0x17d: {  	_ = 	snop  }
0x17e: {  	[tilespmem:s12], [sflag:$0x4] =	stream.indirect_vreg.gather [hbm4b:s1+s3], $0x80, v4, vm0, $0xb8;
	[tilespmem:$0x10800] =	vst v63  }
0x17f: {  	s19 =	sadd.s32 $0x2000, s19;
	s18 =	sadd.s32 $0x100, s18  }
0x180: {  	[tilespmem:s13], [sflag:$0x4] =	stream.indirect_vreg.gather [hbm4b:s1+s3], $0x80, v3, vm0, $0xb8;
	[tilespmem:$0x10800] =	vst v63  }
.LBB2_7:
0x181: {  	_ =	sfence.sel $0x180000  }
0x182: {  	[bflag:$0x0] =	sbarrier.arrive $0xFFFF  }
0x183: {  	_ =	strace $0x90000047  }
0x184: {  	s0 =	stileid.u32;
	[bflag:$0x2] =	sbarrier.arrive $0xFFFF  }
0x185: {  	p0 =	sne.s32 s0, $0x0;
	s0 =	rddreg [dreg:$0x3]  }
0x186: {  	s0 =	sadd.s32 @!p0 $0x100000, s0  }
0x187: {  	[sflag:s0] =	ssyncadd.tile.s32 @!p0 $0x1;
	_ =	shalt  }
.Lfunc_end2:
_tile_overlayer_lowered:
.L_overlay_start_2:
0x188: {  	(tag) =	ssettag $0x2  }
0x189: {  	s0 =	rddreg [dreg:$0x0];
	s2 =	stileid.u32  }
0x18a: {  	s1 =	rddreg [dreg:$0x1];
	p0 =	sne.s32 s2, $0x0  }
0x18b: {  	s3 =	rddreg [dreg:$0x2];
	[bflag:$0x3] =	sbarrier.arrive $0xFFFF;
	s2 =	simm.s32 @!p0 $0x1C05  }
0x18c: {  	[timem:s3], [sflag:s2] =	dma.local @!p0 [hbm:s0], s1  }
0x18d: {  	s0 =	simm.s32 @!p0 $0x5  }
0x18e: {  	_ =	swait.ge @!p0 [sflag:s0], s1  }
0x18f: {  	s1 =	ssub.s32 @!p0 $0x0, s1;
	[sflag:s0] =	ssyncset.done @!p0 $0x0  }
0x190: {  	[sflag:s0] =	ssyncadd.s32 @!p0 s1  }
0x191: {  	[bflag:$0x3] =	sbarrier.arrive $0xFFFF  }
0x192: {  	_ =	shalt  }

</sc_bundles>
